<compile_context>
chip_gen: v7x
topology: tpu7x:2x2x1
jax: 0.10.2.dev20260603
libtpu: 0.0.44.dev20260713+nightly
codegen_flags: <defaults>
</compile_context>

<pallas_src>
import jax
import jax.numpy as jnp
from jax import lax
from jax.experimental import pallas as pl
from jax.experimental.pallas import tpu as pltpu
from jax.experimental.pallas import tpu_sc as plsc

N_NODES = 10000
N_EDGES = 320000
D_FEAT = 128

L = 16
NT = 16
NP = 10240
CPT = NP // NT
VPT = CPT // L
EPT = N_EDGES // NT
EVPT = EPT // L



def _mm_body(x_ref, w_ref, o_ref):
    o_ref[...] = jnp.zeros((8, NP), jnp.float32)
    o_ref[:, pl.ds(0, N_NODES)] = lax.dot_general(
        w_ref[...], x_ref[...],
        dimension_numbers=(((0,), (1,)), ((), ())),
        preferred_element_type=jnp.float32)


def _project(xp, w2):
    return pl.pallas_call(
        _mm_body,
        out_shape=jax.ShapeDtypeStruct((8, NP), jnp.float32),
    )(xp, w2)


def _sc_body(edge_hbm, vs_hbm, scal_hbm,
             x1_hbm, x2_hbm, x3_hbm, hg_hbm,
             srcv, dstv, val, acc, rowidx, zrow, redsm, xnb0, xnb1,
             s0v, scalv, hgbuf, hgred, sh_acc, sh_x, sh_hg,
             sem_in, sem_val, sem_o0, sem_o1):
    t = lax.axis_index("s")
    zero16 = jnp.zeros((L,), jnp.float32)
    ROWS = NP // 128
    RPTL = ROWS // NT

    stage = [
        pltpu.async_copy(edge_hbm.at[pl.ds(t * EPT, EPT)], srcv, sem_in),
        pltpu.async_copy(edge_hbm.at[pl.ds(N_EDGES + t * EPT, EPT)],
                         dstv, sem_in),
        pltpu.async_copy(vs_hbm.at[pl.ds(0, NP)], val, sem_in),
        pltpu.async_copy(vs_hbm.at[pl.ds(NP + t * CPT, CPT)], s0v, sem_in),
        pltpu.async_copy(scal_hbm, scalv, sem_in),
    ]

    def pro(j, _):
        rowidx[pl.ds(j * L, L)] = (
            lax.broadcasted_iota(jnp.int32, (L,), 0) + j * L)
        return 0
    lax.fori_loop(0, ROWS // L, pro, 0)
    for r in range(RPTL):
        for u in range(8):
            zrow[r, pl.ds(u * L, L)] = zero16
    pltpu.sync_copy(zrow, sh_acc.at[pl.ds(t * RPTL, RPTL)])

    def zero_acc():
        def zer(r, _):
            for u in range(8):
                acc[r, pl.ds(u * L, L)] = zero16
            return 0
        lax.fori_loop(0, ROWS, zer, 0)

    def edge_pass():
        @plsc.parallel_loop(0, EVPT, unroll=8)
        def _(i):
            o = i * L
            s = srcv[pl.ds(o, L)]
            d = dstv[pl.ds(o, L)]
            v = plsc.load_gather(val, [s])
            plsc.addupdate_scatter(
                acc, [lax.shift_right_logical(d, 7), d & 127], v)

    def combine(layer, xnbuf):
        pltpu.sync_copy(acc, sh_acc.at[rowidx], add=True)
        if layer < 2:
            zero_acc()
        plsc.subcore_barrier()
        pltpu.sync_copy(sh_acc.at[pl.ds(t * RPTL, RPTL)], redsm)
        pltpu.sync_copy(zrow, sh_acc.at[pl.ds(t * RPTL, RPTL)])

        wn = scalv[pl.ds(3 * layer * L, L)]
        bn = scalv[pl.ds((3 * layer + 1) * L, L)]
        ws = scalv[pl.ds((3 * layer + 2) * L, L)]

        @plsc.parallel_loop(0, VPT, unroll=4, carry=zero16)
        def hvec(c, hsum):
            aggv = redsm[lax.shift_right_logical(c, 3),
                         pl.ds((c & 7) * L, L)]
            if layer == 0:
                xn = aggv + bn + s0v[pl.ds(c * L, L)]
            else:
                xn = wn * aggv + bn + ws * val[pl.ds(t * CPT + c * L, L)]
            xn = jnp.maximum(xn, 0.0)
            gid = lax.broadcasted_iota(jnp.int32, (L,), 0) + t * CPT + c * L
            xn = jnp.where(gid < N_NODES, xn, 0.0)
            xnbuf[pl.ds(c * L, L)] = xn
            return hsum + xn
        return hvec

    plsc.subcore_barrier()

    zero_acc()
    for cp in stage:
        cp.wait()
    edge_pass()
    combine(0, xnb0)
    out0 = pltpu.async_copy(xnb0, x1_hbm.at[pl.ds(t * CPT, CPT)], sem_o0)
    pltpu.sync_copy(xnb0, sh_x.at[pl.ds(t * CPT, CPT)])
    plsc.subcore_barrier()
    cpv = pltpu.async_copy(sh_x, val, sem_val)

    cpv.wait()
    edge_pass()
    combine(1, xnb1)
    out1 = pltpu.async_copy(xnb1, x2_hbm.at[pl.ds(t * CPT, CPT)], sem_o1)
    pltpu.sync_copy(xnb1, sh_x.at[pl.ds(t * CPT, CPT)])
    plsc.subcore_barrier()
    cpv = pltpu.async_copy(sh_x, val, sem_val)

    cpv.wait()
    edge_pass()
    out0.wait()
    hvec = combine(2, xnb0)
    out2 = pltpu.async_copy(xnb0, x3_hbm.at[pl.ds(t * CPT, CPT)], sem_o0)

    def zer8(r, _):
        hgbuf[pl.ds(r * L, L)] = zero16
        return 0
    lax.fori_loop(1, 8, zer8, 0)
    hgbuf[pl.ds(0, L)] = hvec
    pltpu.sync_copy(hgbuf, sh_hg.at[pl.ds(t * 128, 128)])
    plsc.subcore_barrier()

    @pl.when(t == 0)
    def _():
        pltpu.sync_copy(sh_hg, hgred)

        def srow(sid, v):
            return v + hgred[pl.ds(sid * 128, L)]
        tot = lax.fori_loop(0, NT, srow, zero16)
        hgbuf[pl.ds(0, L)] = jnp.broadcast_to(jnp.sum(tot), (L,))
        pltpu.sync_copy(hgbuf, hg_hbm)

    out1.wait()
    out2.wait()


_sc_net_cache = []


def _sc_net(*args):
    if not _sc_net_cache:
        _sc_net_cache.append(_make_sc_net())
    return _sc_net_cache[0](*args)


def _make_sc_net():
    return pl.kernel(
        _sc_body,
        out_type=[
        jax.ShapeDtypeStruct((NP,), jnp.float32),
        jax.ShapeDtypeStruct((NP,), jnp.float32),
        jax.ShapeDtypeStruct((NP,), jnp.float32),
        jax.ShapeDtypeStruct((128,), jnp.float32),
    ],
    mesh=plsc.VectorSubcoreMesh(
        core_axis_name="c", subcore_axis_name="s",
        num_cores=1, num_subcores=16),
    compiler_params=pltpu.CompilerParams(needs_layout_passes=False),
    scratch_types=[
        pltpu.VMEM((EPT,), jnp.int32),
        pltpu.VMEM((EPT,), jnp.int32),
        pltpu.VMEM((NP,), jnp.float32),
        pltpu.VMEM((NP // 128, 128), jnp.float32),
        pltpu.VMEM((NP // 128,), jnp.int32),
        pltpu.VMEM((NP // 128 // NT, 128), jnp.float32),
        pltpu.VMEM((NP // 128 // NT, 128), jnp.float32),
        pltpu.VMEM((CPT,), jnp.float32),
        pltpu.VMEM((CPT,), jnp.float32),
        pltpu.VMEM((CPT,), jnp.float32),
        pltpu.VMEM((9 * L,), jnp.float32),
        pltpu.VMEM((128,), jnp.float32),
        pltpu.VMEM((NT * 128,), jnp.float32),
        pltpu.VMEM_SHARED((NP // 128, 128), jnp.float32),
        pltpu.VMEM_SHARED((NP,), jnp.float32),
        pltpu.VMEM_SHARED((NT * 128,), jnp.float32),
        pltpu.SemaphoreType.DMA,
        pltpu.SemaphoreType.DMA,
        pltpu.SemaphoreType.DMA,
        pltpu.SemaphoreType.DMA,
    ],
)


def kernel(x, edge_index, Wn0, bn0, Ws0, Wn1, bn1, Ws1, Wn2, bn2, Ws2):
    edges = edge_index.astype(jnp.int32).reshape(2 * N_EDGES)

    w2 = jnp.concatenate(
        [Wn0, Ws0, jnp.zeros((D_FEAT, 6), jnp.float32)], axis=1)
    vs = _project(x, w2).reshape(8 * NP)

    scal = jnp.concatenate([
        jnp.broadcast_to(bn0[0], (L,)),
        jnp.broadcast_to(bn0[0], (L,)),
        jnp.broadcast_to(bn0[0], (L,)),
        jnp.broadcast_to(Wn1[0, 0], (L,)),
        jnp.broadcast_to(bn1[0], (L,)),
        jnp.broadcast_to(Ws1[0, 0], (L,)),
        jnp.broadcast_to(Wn2[0, 0], (L,)),
        jnp.broadcast_to(bn2[0], (L,)),
        jnp.broadcast_to(Ws2[0, 0], (L,)),
    ])

    x1o, x2o, x3o, hgo = _sc_net(edges, vs, scal)

    x1 = x1o[:N_NODES, None]
    x2 = x2o[:N_NODES, None]
    x3 = x3o[:N_NODES, None]
    hg = hgo[0:1, None]
    return (hg, x, x1, x2, x3)

# --- scband reference (transcript-rebuilt; emitter-appended) ---
"""Pipeline reference for scband-fixed-net-62749472194875 (READ-ONLY COPY).

The authoritative reference and input builder live on the scoring server;
editing this copy changes nothing except your own understanding.
"""

import jax, jax.numpy as jnp
import numpy as np

N_NODES = 10000
N_EDGES = 320000
D_FEAT = 128


def setup_inputs(seed: int = 0) -> dict:
    key = jax.random.key(seed)
    ks = jax.random.split(key, 12)
    x = jax.random.normal(ks[0], (N_NODES, D_FEAT), dtype=jnp.float32)
    edge_index = jax.random.randint(ks[1], (2, N_EDGES), 0, N_NODES, dtype=jnp.int64)
    # FixedNet hardcodes hidden dim = 1. Three GraphConvWL layers:
    # layer 0: in=128 -> out=1 ; layers 1,2: in=1 -> out=1
    # Each GraphConvWL has: conv_from_neigh (GraphConv, weight+bias) and conv_from_self (Linear, no bias)
    s = 1.0 / np.sqrt(D_FEAT)
    Wn0 = jax.random.uniform(ks[2], (D_FEAT, 1), jnp.float32, -s, s)
    bn0 = jnp.zeros((1,), jnp.float32)
    Ws0 = jax.random.uniform(ks[3], (D_FEAT, 1), jnp.float32, -s, s)
    Wn1 = jax.random.uniform(ks[4], (1, 1), jnp.float32, -1.0, 1.0)
    bn1 = jnp.zeros((1,), jnp.float32)
    Ws1 = jax.random.uniform(ks[5], (1, 1), jnp.float32, -1.0, 1.0)
    Wn2 = jax.random.uniform(ks[6], (1, 1), jnp.float32, -1.0, 1.0)
    bn2 = jnp.zeros((1,), jnp.float32)
    Ws2 = jax.random.uniform(ks[7], (1, 1), jnp.float32, -1.0, 1.0)
    return {"x": x, "edge_index": edge_index,
            "Wn0": Wn0, "bn0": bn0, "Ws0": Ws0,
            "Wn1": Wn1, "bn1": bn1, "Ws1": Ws1,
            "Wn2": Wn2, "bn2": bn2, "Ws2": Ws2}


def _graph_conv_wl(x, src, dst, Wn, bn, Ws):
    # GraphConv(norm='none', weight=True, bias=True): project then sum-aggregate src -> dst
    h = x @ Wn
    agg = jnp.zeros((x.shape[0], h.shape[1]), h.dtype).at[dst].add(h[src])
    neigh = agg + bn
    self_feat = x @ Ws  # Linear(bias=False)
    return neigh + self_feat


def reference(x, edge_index, Wn0, bn0, Ws0, Wn1, bn1, Ws1, Wn2, bn2, Ws2):
    src = edge_index[0]
    dst = edge_index[1]
    params = [(Wn0, bn0, Ws0), (Wn1, bn1, Ws1), (Wn2, bn2, Ws2)]
    xs = [x]
    h = x
    for (Wn, bn, Ws) in params:
        h = _graph_conv_wl(h, src, dst, Wn, bn, Ws)
        h = jax.nn.relu(h)
        xs.append(h)
    # concat_features=False -> h is last layer output
    # dgl.sum_nodes over single graph -> [1, dim]
    hg = jnp.sum(h, axis=0, keepdims=True)
    # report=True -> return (hg, xs)
    return (hg,) + tuple(xs)

if __name__ == "__main__":
    import jax
    _d = setup_inputs()
    print(jax.jit(kernel)(*tuple(_d.values())))

</pallas_src>

<mosaic_0001>
#map = affine_map<(d0, d1) -> (0)>
module attributes {stable_mosaic.version = 14 : i64} {
  func.func @_sc_body(%arg0: i32, %arg1: i32, %arg2: memref<640000xi32, #tpu.memory_space<hbm>>, %arg3: memref<81920xf32, #tpu.memory_space<hbm>>, %arg4: memref<144xf32, #tpu.memory_space<hbm>>, %arg5: memref<10240xf32, #tpu.memory_space<hbm>>, %arg6: memref<10240xf32, #tpu.memory_space<hbm>>, %arg7: memref<10240xf32, #tpu.memory_space<hbm>>, %arg8: memref<128xf32, #tpu.memory_space<hbm>>, %arg9: memref<20000xi32, #tpu.memory_space<vmem>>, %arg10: memref<20000xi32, #tpu.memory_space<vmem>>, %arg11: memref<10240xf32, #tpu.memory_space<vmem>>, %arg12: memref<80x128xf32, #tpu.memory_space<vmem>>, %arg13: memref<80xi32, #tpu.memory_space<vmem>>, %arg14: memref<5x128xf32, #tpu.memory_space<vmem>>, %arg15: memref<5x128xf32, #tpu.memory_space<vmem>>, %arg16: memref<640xf32, #tpu.memory_space<vmem>>, %arg17: memref<640xf32, #tpu.memory_space<vmem>>, %arg18: memref<640xf32, #tpu.memory_space<vmem>>, %arg19: memref<144xf32, #tpu.memory_space<vmem>>, %arg20: memref<128xf32, #tpu.memory_space<vmem>>, %arg21: memref<2048xf32, #tpu.memory_space<vmem>>, %arg22: memref<80x128xf32, #tpu.memory_space<vmem_shared>>, %arg23: memref<10240xf32, #tpu.memory_space<vmem_shared>>, %arg24: memref<2048xf32, #tpu.memory_space<vmem_shared>>, %arg25: memref<!tpu.dma_semaphore, #tpu.memory_space<semaphore_mem>>, %arg26: memref<!tpu.dma_semaphore, #tpu.memory_space<semaphore_mem>>, %arg27: memref<!tpu.dma_semaphore, #tpu.memory_space<semaphore_mem>>, %arg28: memref<!tpu.dma_semaphore, #tpu.memory_space<semaphore_mem>>) attributes {dimension_semantics = [#tpu.dimension_semantics<core_parallel>, #tpu.dimension_semantics<subcore_parallel>], iteration_bounds = array<i64: 1, 16>, scalar_prefetch = 0 : i64, scratch_operands = 20 : i64, tpu.core_type = #tpu.core_type<sc_vector_subcore>, window_params = [{transform_indices = #map}, {transform_indices = #map}, {transform_indices = #map}, {transform_indices = #map}, {transform_indices = #map}, {transform_indices = #map}, {transform_indices = #map}]} {
    %broadcast_in_dim3A = arith.constant 0.000000e+00 : f32
    %broadcast_in_dim3A_0 = vector.broadcast %broadcast_in_dim3A : f32 to vector<16xf32>
    %mul3A = arith.constant 20000 : i32
    %mul3A_1 = arith.muli %arg1, %mul3A : i32
    %dma_start3A = tpu.memref_slice %arg2[%mul3A_1] : memref<640000xi32, #tpu.memory_space<hbm>> -> memref<20000xi32, #tpu.memory_space<hbm>>
    %dma_start3A_2 = tpu.memref_slice %arg2[%mul3A_1] : memref<640000xi32, #tpu.memory_space<hbm>> -> memref<20000xi32, #tpu.memory_space<hbm>>
    tpu.enqueue_dma source(%dma_start3A_2 : memref<20000xi32, #tpu.memory_space<hbm>>) target(%arg9 : memref<20000xi32, #tpu.memory_space<vmem>>) target_semaphore(%arg25 : memref<!tpu.dma_semaphore, #tpu.memory_space<semaphore_mem>>)
    %mul3A_3 = arith.constant 20000 : i32
    %mul3A_4 = arith.muli %arg1, %mul3A_3 : i32
    %add3A = arith.constant 320000 : i32
    %add3A_5 = arith.addi %add3A, %mul3A_4 : i32
    %dma_start3A_6 = tpu.memref_slice %arg2[%add3A_5] : memref<640000xi32, #tpu.memory_space<hbm>> -> memref<20000xi32, #tpu.memory_space<hbm>>
    %dma_start3A_7 = tpu.memref_slice %arg2[%add3A_5] : memref<640000xi32, #tpu.memory_space<hbm>> -> memref<20000xi32, #tpu.memory_space<hbm>>
    tpu.enqueue_dma source(%dma_start3A_7 : memref<20000xi32, #tpu.memory_space<hbm>>) target(%arg10 : memref<20000xi32, #tpu.memory_space<vmem>>) target_semaphore(%arg25 : memref<!tpu.dma_semaphore, #tpu.memory_space<semaphore_mem>>)
    %dma_start3A_8 = arith.constant 0 : i32
    %dma_start3A_9 = tpu.memref_slice %arg3[%dma_start3A_8] : memref<81920xf32, #tpu.memory_space<hbm>> -> memref<10240xf32, #tpu.memory_space<hbm>>
    %dma_start3A_10 = arith.constant 0 : i32
    %dma_start3A_11 = tpu.memref_slice %arg3[%dma_start3A_10] : memref<81920xf32, #tpu.memory_space<hbm>> -> memref<10240xf32, #tpu.memory_space<hbm>>
    tpu.enqueue_dma source(%dma_start3A_11 : memref<10240xf32, #tpu.memory_space<hbm>>) target(%arg11 : memref<10240xf32, #tpu.memory_space<vmem>>) target_semaphore(%arg25 : memref<!tpu.dma_semaphore, #tpu.memory_space<semaphore_mem>>)
    %mul3A_12 = arith.constant 640 : i32
    %mul3A_13 = arith.muli %arg1, %mul3A_12 : i32
    %add3A_14 = arith.constant 10240 : i32
    %add3A_15 = arith.addi %add3A_14, %mul3A_13 : i32
    %dma_start3A_16 = tpu.memref_slice %arg3[%add3A_15] : memref<81920xf32, #tpu.memory_space<hbm>> -> memref<640xf32, #tpu.memory_space<hbm>>
    %dma_start3A_17 = tpu.memref_slice %arg3[%add3A_15] : memref<81920xf32, #tpu.memory_space<hbm>> -> memref<640xf32, #tpu.memory_space<hbm>>
    tpu.enqueue_dma source(%dma_start3A_17 : memref<640xf32, #tpu.memory_space<hbm>>) target(%arg18 : memref<640xf32, #tpu.memory_space<vmem>>) target_semaphore(%arg25 : memref<!tpu.dma_semaphore, #tpu.memory_space<semaphore_mem>>)
    tpu.enqueue_dma source(%arg4 : memref<144xf32, #tpu.memory_space<hbm>>) target(%arg19 : memref<144xf32, #tpu.memory_space<vmem>>) target_semaphore(%arg25 : memref<!tpu.dma_semaphore, #tpu.memory_space<semaphore_mem>>)
    %scan3A = arith.constant 0 : i32
    %scan3A_18 = arith.constant 0 : i32
    %scan3A_19 = arith.constant 5 : i32
    %scan3A_20 = arith.addi %scan3A_18, %scan3A_19 : i32
    %scan3A_21 = arith.constant 1 : i32
    %scan3A_22 = scf.for %scan3A_305 = %scan3A_18 to %scan3A_20 step %scan3A_21 iter_args(%scan3A_306 = %scan3A) -> (i32)  : i32 {
      %iota3A = tpu.iota {dimensions = array<i32: 0>} : vector<16xi32>
      %mul3A_307 = arith.constant 16 : i32
      %mul3A_308 = arith.muli %scan3A_305, %mul3A_307 : i32
      %add3A_309 = vector.broadcast %mul3A_308 : i32 to vector<16xi32>
      %add3A_310 = arith.addi %iota3A, %add3A_309 : vector<16xi32>
      %mul3A_311 = arith.constant 16 : i32
      %mul3A_312 = arith.muli %scan3A_305, %mul3A_311 : i32
      %swap3A_313 = arith.index_cast %mul3A_312 : i32 to index
      %swap3A_314 = tpu.vector_load %arg13[%swap3A_313] {strides = array<i32>} : memref<80xi32, #tpu.memory_space<vmem>>, vector<16xi32>,
      tpu.vector_store %arg13[%swap3A_313], %add3A_310 {strides = array<i32>} : memref<80xi32, #tpu.memory_space<vmem>>, vector<16xi32>,
      %scan3A_315 = arith.constant 0 : i32
      scf.yield %scan3A_315 : i32
    }
    %scan3A_23 = arith.constant 5 : i32
    %swap3A = arith.constant 0 : i32
    %swap3A_24 = arith.index_cast %swap3A : i32 to index
    %swap3A_25 = arith.constant 0 : index
    %swap3A_26 = tpu.vector_load %arg14[%swap3A_24, %swap3A_25] {strides = array<i32>} : memref<5x128xf32, #tpu.memory_space<vmem>>, vector<16xf32>,
    tpu.vector_store %arg14[%swap3A_24, %swap3A_25], %broadcast_in_dim3A_0 {strides = array<i32>} : memref<5x128xf32, #tpu.memory_space<vmem>>, vector<16xf32>,
    %swap3A_27 = arith.constant 0 : i32
    %swap3A_28 = arith.index_cast %swap3A_27 : i32 to index
    %swap3A_29 = arith.constant 16 : index
    %swap3A_30 = tpu.vector_load %arg14[%swap3A_28, %swap3A_29] {strides = array<i32>} : memref<5x128xf32, #tpu.memory_space<vmem>>, vector<16xf32>,
    tpu.vector_store %arg14[%swap3A_28, %swap3A_29], %broadcast_in_dim3A_0 {strides = array<i32>} : memref<5x128xf32, #tpu.memory_space<vmem>>, vector<16xf32>,
    %swap3A_31 = arith.constant 0 : i32
    %swap3A_32 = arith.index_cast %swap3A_31 : i32 to index
    %swap3A_33 = arith.constant 32 : index
    %swap3A_34 = tpu.vector_load %arg14[%swap3A_32, %swap3A_33] {strides = array<i32>} : memref<5x128xf32, #tpu.memory_space<vmem>>, vector<16xf32>,
    tpu.vector_store %arg14[%swap3A_32, %swap3A_33], %broadcast_in_dim3A_0 {strides = array<i32>} : memref<5x128xf32, #tpu.memory_space<vmem>>, vector<16xf32>,
    %swap3A_35 = arith.constant 0 : i32
    %swap3A_36 = arith.index_cast %swap3A_35 : i32 to index
    %swap3A_37 = arith.constant 48 : index
    %swap3A_38 = tpu.vector_load %arg14[%swap3A_36, %swap3A_37] {strides = array<i32>} : memref<5x128xf32, #tpu.memory_space<vmem>>, vector<16xf32>,
    tpu.vector_store %arg14[%swap3A_36, %swap3A_37], %broadcast_in_dim3A_0 {strides = array<i32>} : memref<5x128xf32, #tpu.memory_space<vmem>>, vector<16xf32>,
    %swap3A_39 = arith.constant 0 : i32
    %swap3A_40 = arith.index_cast %swap3A_39 : i32 to index
    %swap3A_41 = arith.constant 64 : index
    %swap3A_42 = tpu.vector_load %arg14[%swap3A_40, %swap3A_41] {strides = array<i32>} : memref<5x128xf32, #tpu.memory_space<vmem>>, vector<16xf32>,
    tpu.vector_store %arg14[%swap3A_40, %swap3A_41], %broadcast_in_dim3A_0 {strides = array<i32>} : memref<5x128xf32, #tpu.memory_space<vmem>>, vector<16xf32>,
    %swap3A_43 = arith.constant 0 : i32
    %swap3A_44 = arith.index_cast %swap3A_43 : i32 to index
    %swap3A_45 = arith.constant 80 : index
    %swap3A_46 = tpu.vector_load %arg14[%swap3A_44, %swap3A_45] {strides = array<i32>} : memref<5x128xf32, #tpu.memory_space<vmem>>, vector<16xf32>,
    tpu.vector_store %arg14[%swap3A_44, %swap3A_45], %broadcast_in_dim3A_0 {strides = array<i32>} : memref<5x128xf32, #tpu.memory_space<vmem>>, vector<16xf32>,
    %swap3A_47 = arith.constant 0 : i32
    %swap3A_48 = arith.index_cast %swap3A_47 : i32 to index
    %swap3A_49 = arith.constant 96 : index
    %swap3A_50 = tpu.vector_load %arg14[%swap3A_48, %swap3A_49] {strides = array<i32>} : memref<5x128xf32, #tpu.memory_space<vmem>>, vector<16xf32>,
    tpu.vector_store %arg14[%swap3A_48, %swap3A_49], %broadcast_in_dim3A_0 {strides = array<i32>} : memref<5x128xf32, #tpu.memory_space<vmem>>, vector<16xf32>,
    %swap3A_51 = arith.constant 0 : i32
    %swap3A_52 = arith.index_cast %swap3A_51 : i32 to index
    %swap3A_53 = arith.constant 112 : index
    %swap3A_54 = tpu.vector_load %arg14[%swap3A_52, %swap3A_53] {strides = array<i32>} : memref<5x128xf32, #tpu.memory_space<vmem>>, vector<16xf32>,
    tpu.vector_store %arg14[%swap3A_52, %swap3A_53], %broadcast_in_dim3A_0 {strides = array<i32>} : memref<5x128xf32, #tpu.memory_space<vmem>>, vector<16xf32>,
    %swap3A_55 = arith.constant 1 : i32
    %swap3A_56 = arith.index_cast %swap3A_55 : i32 to index
    %swap3A_57 = arith.constant 0 : index
    %swap3A_58 = tpu.vector_load %arg14[%swap3A_56, %swap3A_57] {strides = array<i32>} : memref<5x128xf32, #tpu.memory_space<vmem>>, vector<16xf32>,
    tpu.vector_store %arg14[%swap3A_56, %swap3A_57], %broadcast_in_dim3A_0 {strides = array<i32>} : memref<5x128xf32, #tpu.memory_space<vmem>>, vector<16xf32>,
    %swap3A_59 = arith.constant 1 : i32
    %swap3A_60 = arith.index_cast %swap3A_59 : i32 to index
    %swap3A_61 = arith.constant 16 : index
    %swap3A_62 = tpu.vector_load %arg14[%swap3A_60, %swap3A_61] {strides = array<i32>} : memref<5x128xf32, #tpu.memory_space<vmem>>, vector<16xf32>,
    tpu.vector_store %arg14[%swap3A_60, %swap3A_61], %broadcast_in_dim3A_0 {strides = array<i32>} : memref<5x128xf32, #tpu.memory_space<vmem>>, vector<16xf32>,
    %swap3A_63 = arith.constant 1 : i32
    %swap3A_64 = arith.index_cast %swap3A_63 : i32 to index
    %swap3A_65 = arith.constant 32 : index
    %swap3A_66 = tpu.vector_load %arg14[%swap3A_64, %swap3A_65] {strides = array<i32>} : memref<5x128xf32, #tpu.memory_space<vmem>>, vector<16xf32>,
    tpu.vector_store %arg14[%swap3A_64, %swap3A_65], %broadcast_in_dim3A_0 {strides = array<i32>} : memref<5x128xf32, #tpu.memory_space<vmem>>, vector<16xf32>,
    %swap3A_67 = arith.constant 1 : i32
    %swap3A_68 = arith.index_cast %swap3A_67 : i32 to index
    %swap3A_69 = arith.constant 48 : index
    %swap3A_70 = tpu.vector_load %arg14[%swap3A_68, %swap3A_69] {strides = array<i32>} : memref<5x128xf32, #tpu.memory_space<vmem>>, vector<16xf32>,
    tpu.vector_store %arg14[%swap3A_68, %swap3A_69], %broadcast_in_dim3A_0 {strides = array<i32>} : memref<5x128xf32, #tpu.memory_space<vmem>>, vector<16xf32>,
    %swap3A_71 = arith.constant 1 : i32
    %swap3A_72 = arith.index_cast %swap3A_71 : i32 to index
    %swap3A_73 = arith.constant 64 : index
    %swap3A_74 = tpu.vector_load %arg14[%swap3A_72, %swap3A_73] {strides = array<i32>} : memref<5x128xf32, #tpu.memory_space<vmem>>, vector<16xf32>,
    tpu.vector_store %arg14[%swap3A_72, %swap3A_73], %broadcast_in_dim3A_0 {strides = array<i32>} : memref<5x128xf32, #tpu.memory_space<vmem>>, vector<16xf32>,
    %swap3A_75 = arith.constant 1 : i32
    %swap3A_76 = arith.index_cast %swap3A_75 : i32 to index
    %swap3A_77 = arith.constant 80 : index
    %swap3A_78 = tpu.vector_load %arg14[%swap3A_76, %swap3A_77] {strides = array<i32>} : memref<5x128xf32, #tpu.memory_space<vmem>>, vector<16xf32>,
    tpu.vector_store %arg14[%swap3A_76, %swap3A_77], %broadcast_in_dim3A_0 {strides = array<i32>} : memref<5x128xf32, #tpu.memory_space<vmem>>, vector<16xf32>,
    %swap3A_79 = arith.constant 1 : i32
    %swap3A_80 = arith.index_cast %swap3A_79 : i32 to index
    %swap3A_81 = arith.constant 96 : index
    %swap3A_82 = tpu.vector_load %arg14[%swap3A_80, %swap3A_81] {strides = array<i32>} : memref<5x128xf32, #tpu.memory_space<vmem>>, vector<16xf32>,
    tpu.vector_store %arg14[%swap3A_80, %swap3A_81], %broadcast_in_dim3A_0 {strides = array<i32>} : memref<5x128xf32, #tpu.memory_space<vmem>>, vector<16xf32>,
    %swap3A_83 = arith.constant 1 : i32
    %swap3A_84 = arith.index_cast %swap3A_83 : i32 to index
    %swap3A_85 = arith.constant 112 : index
    %swap3A_86 = tpu.vector_load %arg14[%swap3A_84, %swap3A_85] {strides = array<i32>} : memref<5x128xf32, #tpu.memory_space<vmem>>, vector<16xf32>,
    tpu.vector_store %arg14[%swap3A_84, %swap3A_85], %broadcast_in_dim3A_0 {strides = array<i32>} : memref<5x128xf32, #tpu.memory_space<vmem>>, vector<16xf32>,
    %swap3A_87 = arith.constant 2 : i32
    %swap3A_88 = arith.index_cast %swap3A_87 : i32 to index
    %swap3A_89 = arith.constant 0 : index
    %swap3A_90 = tpu.vector_load %arg14[%swap3A_88, %swap3A_89] {strides = array<i32>} : memref<5x128xf32, #tpu.memory_space<vmem>>, vector<16xf32>,
    tpu.vector_store %arg14[%swap3A_88, %swap3A_89], %broadcast_in_dim3A_0 {strides = array<i32>} : memref<5x128xf32, #tpu.memory_space<vmem>>, vector<16xf32>,
    %swap3A_91 = arith.constant 2 : i32
    %swap3A_92 = arith.index_cast %swap3A_91 : i32 to index
    %swap3A_93 = arith.constant 16 : index
    %swap3A_94 = tpu.vector_load %arg14[%swap3A_92, %swap3A_93] {strides = array<i32>} : memref<5x128xf32, #tpu.memory_space<vmem>>, vector<16xf32>,
    tpu.vector_store %arg14[%swap3A_92, %swap3A_93], %broadcast_in_dim3A_0 {strides = array<i32>} : memref<5x128xf32, #tpu.memory_space<vmem>>, vector<16xf32>,
    %swap3A_95 = arith.constant 2 : i32
    %swap3A_96 = arith.index_cast %swap3A_95 : i32 to index
    %swap3A_97 = arith.constant 32 : index
    %swap3A_98 = tpu.vector_load %arg14[%swap3A_96, %swap3A_97] {strides = array<i32>} : memref<5x128xf32, #tpu.memory_space<vmem>>, vector<16xf32>,
    tpu.vector_store %arg14[%swap3A_96, %swap3A_97], %broadcast_in_dim3A_0 {strides = array<i32>} : memref<5x128xf32, #tpu.memory_space<vmem>>, vector<16xf32>,
    %swap3A_99 = arith.constant 2 : i32
    %swap3A_100 = arith.index_cast %swap3A_99 : i32 to index
    %swap3A_101 = arith.constant 48 : index
    %swap3A_102 = tpu.vector_load %arg14[%swap3A_100, %swap3A_101] {strides = array<i32>} : memref<5x128xf32, #tpu.memory_space<vmem>>, vector<16xf32>,
    tpu.vector_store %arg14[%swap3A_100, %swap3A_101], %broadcast_in_dim3A_0 {strides = array<i32>} : memref<5x128xf32, #tpu.memory_space<vmem>>, vector<16xf32>,
    %swap3A_103 = arith.constant 2 : i32
    %swap3A_104 = arith.index_cast %swap3A_103 : i32 to index
    %swap3A_105 = arith.constant 64 : index
    %swap3A_106 = tpu.vector_load %arg14[%swap3A_104, %swap3A_105] {strides = array<i32>} : memref<5x128xf32, #tpu.memory_space<vmem>>, vector<16xf32>,
    tpu.vector_store %arg14[%swap3A_104, %swap3A_105], %broadcast_in_dim3A_0 {strides = array<i32>} : memref<5x128xf32, #tpu.memory_space<vmem>>, vector<16xf32>,
    %swap3A_107 = arith.constant 2 : i32
    %swap3A_108 = arith.index_cast %swap3A_107 : i32 to index
    %swap3A_109 = arith.constant 80 : index
    %swap3A_110 = tpu.vector_load %arg14[%swap3A_108, %swap3A_109] {strides = array<i32>} : memref<5x128xf32, #tpu.memory_space<vmem>>, vector<16xf32>,
    tpu.vector_store %arg14[%swap3A_108, %swap3A_109], %broadcast_in_dim3A_0 {strides = array<i32>} : memref<5x128xf32, #tpu.memory_space<vmem>>, vector<16xf32>,
    %swap3A_111 = arith.constant 2 : i32
    %swap3A_112 = arith.index_cast %swap3A_111 : i32 to index
    %swap3A_113 = arith.constant 96 : index
    %swap3A_114 = tpu.vector_load %arg14[%swap3A_112, %swap3A_113] {strides = array<i32>} : memref<5x128xf32, #tpu.memory_space<vmem>>, vector<16xf32>,
    tpu.vector_store %arg14[%swap3A_112, %swap3A_113], %broadcast_in_dim3A_0 {strides = array<i32>} : memref<5x128xf32, #tpu.memory_space<vmem>>, vector<16xf32>,
    %swap3A_115 = arith.constant 2 : i32
    %swap3A_116 = arith.index_cast %swap3A_115 : i32 to index
    %swap3A_117 = arith.constant 112 : index
    %swap3A_118 = tpu.vector_load %arg14[%swap3A_116, %swap3A_117] {strides = array<i32>} : memref<5x128xf32, #tpu.memory_space<vmem>>, vector<16xf32>,
    tpu.vector_store %arg14[%swap3A_116, %swap3A_117], %broadcast_in_dim3A_0 {strides = array<i32>} : memref<5x128xf32, #tpu.memory_space<vmem>>, vector<16xf32>,
    %swap3A_119 = arith.constant 3 : i32
    %swap3A_120 = arith.index_cast %swap3A_119 : i32 to index
    %swap3A_121 = arith.constant 0 : index
    %swap3A_122 = tpu.vector_load %arg14[%swap3A_120, %swap3A_121] {strides = array<i32>} : memref<5x128xf32, #tpu.memory_space<vmem>>, vector<16xf32>,
    tpu.vector_store %arg14[%swap3A_120, %swap3A_121], %broadcast_in_dim3A_0 {strides = array<i32>} : memref<5x128xf32, #tpu.memory_space<vmem>>, vector<16xf32>,
    %swap3A_123 = arith.constant 3 : i32
    %swap3A_124 = arith.index_cast %swap3A_123 : i32 to index
    %swap3A_125 = arith.constant 16 : index
    %swap3A_126 = tpu.vector_load %arg14[%swap3A_124, %swap3A_125] {strides = array<i32>} : memref<5x128xf32, #tpu.memory_space<vmem>>, vector<16xf32>,
    tpu.vector_store %arg14[%swap3A_124, %swap3A_125], %broadcast_in_dim3A_0 {strides = array<i32>} : memref<5x128xf32, #tpu.memory_space<vmem>>, vector<16xf32>,
    %swap3A_127 = arith.constant 3 : i32
    %swap3A_128 = arith.index_cast %swap3A_127 : i32 to index
    %swap3A_129 = arith.constant 32 : index
    %swap3A_130 = tpu.vector_load %arg14[%swap3A_128, %swap3A_129] {strides = array<i32>} : memref<5x128xf32, #tpu.memory_space<vmem>>, vector<16xf32>,
    tpu.vector_store %arg14[%swap3A_128, %swap3A_129], %broadcast_in_dim3A_0 {strides = array<i32>} : memref<5x128xf32, #tpu.memory_space<vmem>>, vector<16xf32>,
    %swap3A_131 = arith.constant 3 : i32
    %swap3A_132 = arith.index_cast %swap3A_131 : i32 to index
    %swap3A_133 = arith.constant 48 : index
    %swap3A_134 = tpu.vector_load %arg14[%swap3A_132, %swap3A_133] {strides = array<i32>} : memref<5x128xf32, #tpu.memory_space<vmem>>, vector<16xf32>,
    tpu.vector_store %arg14[%swap3A_132, %swap3A_133], %broadcast_in_dim3A_0 {strides = array<i32>} : memref<5x128xf32, #tpu.memory_space<vmem>>, vector<16xf32>,
    %swap3A_135 = arith.constant 3 : i32
    %swap3A_136 = arith.index_cast %swap3A_135 : i32 to index
    %swap3A_137 = arith.constant 64 : index
    %swap3A_138 = tpu.vector_load %arg14[%swap3A_136, %swap3A_137] {strides = array<i32>} : memref<5x128xf32, #tpu.memory_space<vmem>>, vector<16xf32>,
    tpu.vector_store %arg14[%swap3A_136, %swap3A_137], %broadcast_in_dim3A_0 {strides = array<i32>} : memref<5x128xf32, #tpu.memory_space<vmem>>, vector<16xf32>,
    %swap3A_139 = arith.constant 3 : i32
    %swap3A_140 = arith.index_cast %swap3A_139 : i32 to index
    %swap3A_141 = arith.constant 80 : index
    %swap3A_142 = tpu.vector_load %arg14[%swap3A_140, %swap3A_141] {strides = array<i32>} : memref<5x128xf32, #tpu.memory_space<vmem>>, vector<16xf32>,
    tpu.vector_store %arg14[%swap3A_140, %swap3A_141], %broadcast_in_dim3A_0 {strides = array<i32>} : memref<5x128xf32, #tpu.memory_space<vmem>>, vector<16xf32>,
    %swap3A_143 = arith.constant 3 : i32
    %swap3A_144 = arith.index_cast %swap3A_143 : i32 to index
    %swap3A_145 = arith.constant 96 : index
    %swap3A_146 = tpu.vector_load %arg14[%swap3A_144, %swap3A_145] {strides = array<i32>} : memref<5x128xf32, #tpu.memory_space<vmem>>, vector<16xf32>,
    tpu.vector_store %arg14[%swap3A_144, %swap3A_145], %broadcast_in_dim3A_0 {strides = array<i32>} : memref<5x128xf32, #tpu.memory_space<vmem>>, vector<16xf32>,
    %swap3A_147 = arith.constant 3 : i32
    %swap3A_148 = arith.index_cast %swap3A_147 : i32 to index
    %swap3A_149 = arith.constant 112 : index
    %swap3A_150 = tpu.vector_load %arg14[%swap3A_148, %swap3A_149] {strides = array<i32>} : memref<5x128xf32, #tpu.memory_space<vmem>>, vector<16xf32>,
    tpu.vector_store %arg14[%swap3A_148, %swap3A_149], %broadcast_in_dim3A_0 {strides = array<i32>} : memref<5x128xf32, #tpu.memory_space<vmem>>, vector<16xf32>,
    %swap3A_151 = arith.constant 4 : i32
    %swap3A_152 = arith.index_cast %swap3A_151 : i32 to index
    %swap3A_153 = arith.constant 0 : index
    %swap3A_154 = tpu.vector_load %arg14[%swap3A_152, %swap3A_153] {strides = array<i32>} : memref<5x128xf32, #tpu.memory_space<vmem>>, vector<16xf32>,
    tpu.vector_store %arg14[%swap3A_152, %swap3A_153], %broadcast_in_dim3A_0 {strides = array<i32>} : memref<5x128xf32, #tpu.memory_space<vmem>>, vector<16xf32>,
    %swap3A_155 = arith.constant 4 : i32
    %swap3A_156 = arith.index_cast %swap3A_155 : i32 to index
    %swap3A_157 = arith.constant 16 : index
    %swap3A_158 = tpu.vector_load %arg14[%swap3A_156, %swap3A_157] {strides = array<i32>} : memref<5x128xf32, #tpu.memory_space<vmem>>, vector<16xf32>,
    tpu.vector_store %arg14[%swap3A_156, %swap3A_157], %broadcast_in_dim3A_0 {strides = array<i32>} : memref<5x128xf32, #tpu.memory_space<vmem>>, vector<16xf32>,
    %swap3A_159 = arith.constant 4 : i32
    %swap3A_160 = arith.index_cast %swap3A_159 : i32 to index
    %swap3A_161 = arith.constant 32 : index
    %swap3A_162 = tpu.vector_load %arg14[%swap3A_160, %swap3A_161] {strides = array<i32>} : memref<5x128xf32, #tpu.memory_space<vmem>>, vector<16xf32>,
    tpu.vector_store %arg14[%swap3A_160, %swap3A_161], %broadcast_in_dim3A_0 {strides = array<i32>} : memref<5x128xf32, #tpu.memory_space<vmem>>, vector<16xf32>,
    %swap3A_163 = arith.constant 4 : i32
    %swap3A_164 = arith.index_cast %swap3A_163 : i32 to index
    %swap3A_165 = arith.constant 48 : index
    %swap3A_166 = tpu.vector_load %arg14[%swap3A_164, %swap3A_165] {strides = array<i32>} : memref<5x128xf32, #tpu.memory_space<vmem>>, vector<16xf32>,
    tpu.vector_store %arg14[%swap3A_164, %swap3A_165], %broadcast_in_dim3A_0 {strides = array<i32>} : memref<5x128xf32, #tpu.memory_space<vmem>>, vector<16xf32>,
    %swap3A_167 = arith.constant 4 : i32
    %swap3A_168 = arith.index_cast %swap3A_167 : i32 to index
    %swap3A_169 = arith.constant 64 : index
    %swap3A_170 = tpu.vector_load %arg14[%swap3A_168, %swap3A_169] {strides = array<i32>} : memref<5x128xf32, #tpu.memory_space<vmem>>, vector<16xf32>,
    tpu.vector_store %arg14[%swap3A_168, %swap3A_169], %broadcast_in_dim3A_0 {strides = array<i32>} : memref<5x128xf32, #tpu.memory_space<vmem>>, vector<16xf32>,
    %swap3A_171 = arith.constant 4 : i32
    %swap3A_172 = arith.index_cast %swap3A_171 : i32 to index
    %swap3A_173 = arith.constant 80 : index
    %swap3A_174 = tpu.vector_load %arg14[%swap3A_172, %swap3A_173] {strides = array<i32>} : memref<5x128xf32, #tpu.memory_space<vmem>>, vector<16xf32>,
    tpu.vector_store %arg14[%swap3A_172, %swap3A_173], %broadcast_in_dim3A_0 {strides = array<i32>} : memref<5x128xf32, #tpu.memory_space<vmem>>, vector<16xf32>,
    %swap3A_175 = arith.constant 4 : i32
    %swap3A_176 = arith.index_cast %swap3A_175 : i32 to index
    %swap3A_177 = arith.constant 96 : index
    %swap3A_178 = tpu.vector_load %arg14[%swap3A_176, %swap3A_177] {strides = array<i32>} : memref<5x128xf32, #tpu.memory_space<vmem>>, vector<16xf32>,
    tpu.vector_store %arg14[%swap3A_176, %swap3A_177], %broadcast_in_dim3A_0 {strides = array<i32>} : memref<5x128xf32, #tpu.memory_space<vmem>>, vector<16xf32>,
    %swap3A_179 = arith.constant 4 : i32
    %swap3A_180 = arith.index_cast %swap3A_179 : i32 to index
    %swap3A_181 = arith.constant 112 : index
    %swap3A_182 = tpu.vector_load %arg14[%swap3A_180, %swap3A_181] {strides = array<i32>} : memref<5x128xf32, #tpu.memory_space<vmem>>, vector<16xf32>,
    tpu.vector_store %arg14[%swap3A_180, %swap3A_181], %broadcast_in_dim3A_0 {strides = array<i32>} : memref<5x128xf32, #tpu.memory_space<vmem>>, vector<16xf32>,
    %mul3A_183 = arith.constant 5 : i32
    %mul3A_184 = arith.muli %arg1, %mul3A_183 : i32
    "tpu.region"() ({
      %run_scoped3A = tpu.sem_alloc : memref<!tpu.dma_semaphore, #tpu.memory_space<semaphore_mem>>
      %dma_start3A_305 = arith.constant 0 : i32
      %dma_start3A_306 = tpu.memref_slice %arg22[%mul3A_184, %dma_start3A_305] : memref<80x128xf32, #tpu.memory_space<vmem_shared>> -> memref<5x128xf32, #tpu.memory_space<vmem_shared>>
      %dma_start3A_307 = arith.constant 0 : i32
      %dma_start3A_308 = tpu.memref_slice %arg22[%mul3A_184, %dma_start3A_307] : memref<80x128xf32, #tpu.memory_space<vmem_shared>> -> memref<5x128xf32, #tpu.memory_space<vmem_shared>>
      tpu.enqueue_dma source(%arg14 : memref<5x128xf32, #tpu.memory_space<vmem>>) target(%dma_start3A_308 : memref<5x128xf32, #tpu.memory_space<vmem_shared>>) target_semaphore(%run_scoped3A : memref<!tpu.dma_semaphore, #tpu.memory_space<semaphore_mem>>)
      %dma_wait3A_309 = arith.constant 0 : i32
      %dma_wait3A_310 = tpu.memref_slice %arg22[%mul3A_184, %dma_wait3A_309] : memref<80x128xf32, #tpu.memory_space<vmem_shared>> -> memref<5x128xf32, #tpu.memory_space<vmem_shared>>
      %dma_wait3A_311 = arith.constant 0 : i32
      %dma_wait3A_312 = tpu.memref_slice %arg22[%mul3A_184, %dma_wait3A_311] : memref<80x128xf32, #tpu.memory_space<vmem_shared>> -> memref<5x128xf32, #tpu.memory_space<vmem_shared>>
      tpu.wait_dma2 semaphore(%run_scoped3A : memref<!tpu.dma_semaphore, #tpu.memory_space<semaphore_mem>>) src(%arg14 : memref<5x128xf32, #tpu.memory_space<vmem>>) dst(%dma_wait3A_312 : memref<5x128xf32, #tpu.memory_space<vmem_shared>>)
      tpu.yield
    }) : () -> ()
    %barrier3A = arith.constant 0 : index
    tpu.barrier barrier_id(%barrier3A)
    %scan3A_185 = arith.constant 0 : i32
    %scan3A_186 = arith.constant 0 : i32
    %scan3A_187 = arith.constant 80 : i32
    %scan3A_188 = arith.addi %scan3A_186, %scan3A_187 : i32
    %scan3A_189 = arith.constant 1 : i32
    %scan3A_190 = scf.for %scan3A_305 = %scan3A_186 to %scan3A_188 step %scan3A_189 iter_args(%scan3A_306 = %scan3A_185) -> (i32)  : i32 {
      %swap3A_307 = arith.index_cast %scan3A_305 : i32 to index
      %swap3A_308 = arith.constant 0 : index
      %swap3A_309 = tpu.vector_load %arg12[%swap3A_307, %swap3A_308] {strides = array<i32>} : memref<80x128xf32, #tpu.memory_space<vmem>>, vector<16xf32>,
      tpu.vector_store %arg12[%swap3A_307, %swap3A_308], %broadcast_in_dim3A_0 {strides = array<i32>} : memref<80x128xf32, #tpu.memory_space<vmem>>, vector<16xf32>,
      %swap3A_310 = arith.index_cast %scan3A_305 : i32 to index
      %swap3A_311 = arith.constant 16 : index
      %swap3A_312 = tpu.vector_load %arg12[%swap3A_310, %swap3A_311] {strides = array<i32>} : memref<80x128xf32, #tpu.memory_space<vmem>>, vector<16xf32>,
      tpu.vector_store %arg12[%swap3A_310, %swap3A_311], %broadcast_in_dim3A_0 {strides = array<i32>} : memref<80x128xf32, #tpu.memory_space<vmem>>, vector<16xf32>,
      %swap3A_313 = arith.index_cast %scan3A_305 : i32 to index
      %swap3A_314 = arith.constant 32 : index
      %swap3A_315 = tpu.vector_load %arg12[%swap3A_313, %swap3A_314] {strides = array<i32>} : memref<80x128xf32, #tpu.memory_space<vmem>>, vector<16xf32>,
      tpu.vector_store %arg12[%swap3A_313, %swap3A_314], %broadcast_in_dim3A_0 {strides = array<i32>} : memref<80x128xf32, #tpu.memory_space<vmem>>, vector<16xf32>,
      %swap3A_316 = arith.index_cast %scan3A_305 : i32 to index
      %swap3A_317 = arith.constant 48 : index
      %swap3A_318 = tpu.vector_load %arg12[%swap3A_316, %swap3A_317] {strides = array<i32>} : memref<80x128xf32, #tpu.memory_space<vmem>>, vector<16xf32>,
      tpu.vector_store %arg12[%swap3A_316, %swap3A_317], %broadcast_in_dim3A_0 {strides = array<i32>} : memref<80x128xf32, #tpu.memory_space<vmem>>, vector<16xf32>,
      %swap3A_319 = arith.index_cast %scan3A_305 : i32 to index
      %swap3A_320 = arith.constant 64 : index
      %swap3A_321 = tpu.vector_load %arg12[%swap3A_319, %swap3A_320] {strides = array<i32>} : memref<80x128xf32, #tpu.memory_space<vmem>>, vector<16xf32>,
      tpu.vector_store %arg12[%swap3A_319, %swap3A_320], %broadcast_in_dim3A_0 {strides = array<i32>} : memref<80x128xf32, #tpu.memory_space<vmem>>, vector<16xf32>,
      %swap3A_322 = arith.index_cast %scan3A_305 : i32 to index
      %swap3A_323 = arith.constant 80 : index
      %swap3A_324 = tpu.vector_load %arg12[%swap3A_322, %swap3A_323] {strides = array<i32>} : memref<80x128xf32, #tpu.memory_space<vmem>>, vector<16xf32>,
      tpu.vector_store %arg12[%swap3A_322, %swap3A_323], %broadcast_in_dim3A_0 {strides = array<i32>} : memref<80x128xf32, #tpu.memory_space<vmem>>, vector<16xf32>,
      %swap3A_325 = arith.index_cast %scan3A_305 : i32 to index
      %swap3A_326 = arith.constant 96 : index
      %swap3A_327 = tpu.vector_load %arg12[%swap3A_325, %swap3A_326] {strides = array<i32>} : memref<80x128xf32, #tpu.memory_space<vmem>>, vector<16xf32>,
      tpu.vector_store %arg12[%swap3A_325, %swap3A_326], %broadcast_in_dim3A_0 {strides = array<i32>} : memref<80x128xf32, #tpu.memory_space<vmem>>, vector<16xf32>,
      %swap3A_328 = arith.index_cast %scan3A_305 : i32 to index
      %swap3A_329 = arith.constant 112 : index
      %swap3A_330 = tpu.vector_load %arg12[%swap3A_328, %swap3A_329] {strides = array<i32>} : memref<80x128xf32, #tpu.memory_space<vmem>>, vector<16xf32>,
      tpu.vector_store %arg12[%swap3A_328, %swap3A_329], %broadcast_in_dim3A_0 {strides = array<i32>} : memref<80x128xf32, #tpu.memory_space<vmem>>, vector<16xf32>,
      %scan3A_331 = arith.constant 0 : i32
      scf.yield %scan3A_331 : i32
    }
    %scan3A_191 = arith.constant 80 : i32
    %dma_wait3A = tpu.memref_slice %arg2[%mul3A_1] : memref<640000xi32, #tpu.memory_space<hbm>> -> memref<20000xi32, #tpu.memory_space<hbm>>
    %dma_wait3A_192 = tpu.memref_slice %arg2[%mul3A_1] : memref<640000xi32, #tpu.memory_space<hbm>> -> memref<20000xi32, #tpu.memory_space<hbm>>
    tpu.wait_dma2 semaphore(%arg25 : memref<!tpu.dma_semaphore, #tpu.memory_space<semaphore_mem>>) src(%dma_wait3A_192 : memref<20000xi32, #tpu.memory_space<hbm>>) dst(%arg9 : memref<20000xi32, #tpu.memory_space<vmem>>)
    %dma_wait3A_193 = tpu.memref_slice %arg2[%add3A_5] : memref<640000xi32, #tpu.memory_space<hbm>> -> memref<20000xi32, #tpu.memory_space<hbm>>
    %dma_wait3A_194 = tpu.memref_slice %arg2[%add3A_5] : memref<640000xi32, #tpu.memory_space<hbm>> -> memref<20000xi32, #tpu.memory_space<hbm>>
    tpu.wait_dma2 semaphore(%arg25 : memref<!tpu.dma_semaphore, #tpu.memory_space<semaphore_mem>>) src(%dma_wait3A_194 : memref<20000xi32, #tpu.memory_space<hbm>>) dst(%arg10 : memref<20000xi32, #tpu.memory_space<vmem>>)
    %dma_wait3A_195 = arith.constant 0 : i32
    %dma_wait3A_196 = tpu.memref_slice %arg3[%dma_wait3A_195] : memref<81920xf32, #tpu.memory_space<hbm>> -> memref<10240xf32, #tpu.memory_space<hbm>>
    %dma_wait3A_197 = arith.constant 0 : i32
    %dma_wait3A_198 = tpu.memref_slice %arg3[%dma_wait3A_197] : memref<81920xf32, #tpu.memory_space<hbm>> -> memref<10240xf32, #tpu.memory_space<hbm>>
    tpu.wait_dma2 semaphore(%arg25 : memref<!tpu.dma_semaphore, #tpu.memory_space<semaphore_mem>>) src(%dma_wait3A_198 : memref<10240xf32, #tpu.memory_space<hbm>>) dst(%arg11 : memref<10240xf32, #tpu.memory_space<vmem>>)
    %dma_wait3A_199 = tpu.memref_slice %arg3[%add3A_15] : memref<81920xf32, #tpu.memory_space<hbm>> -> memref<640xf32, #tpu.memory_space<hbm>>
    %dma_wait3A_200 = tpu.memref_slice %arg3[%add3A_15] : memref<81920xf32, #tpu.memory_space<hbm>> -> memref<640xf32, #tpu.memory_space<hbm>>
    tpu.wait_dma2 semaphore(%arg25 : memref<!tpu.dma_semaphore, #tpu.memory_space<semaphore_mem>>) src(%dma_wait3A_200 : memref<640xf32, #tpu.memory_space<hbm>>) dst(%arg18 : memref<640xf32, #tpu.memory_space<vmem>>)
    tpu.wait_dma2 semaphore(%arg25 : memref<!tpu.dma_semaphore, #tpu.memory_space<semaphore_mem>>) src(%arg4 : memref<144xf32, #tpu.memory_space<hbm>>) dst(%arg19 : memref<144xf32, #tpu.memory_space<vmem>>)
    %parallel_loop3A = arith.constant 0 : i32
    %parallel_loop3A_201 = arith.constant 1250 : i32
    %parallel_loop3A_202 = arith.constant 1 : i32
    scf.for %parallel_loop3A_305 = %parallel_loop3A to %parallel_loop3A_201 step %parallel_loop3A_202  : i32 {
      %parallel_loop3A_306 = arith.constant 16 : i32
      %parallel_loop3A_307 = arith.muli %parallel_loop3A_305, %parallel_loop3A_306 : i32
      %parallel_loop3A_308 = arith.index_cast %parallel_loop3A_307 : i32 to index
      %parallel_loop3A_309 = tpu.vector_load %arg9[%parallel_loop3A_308] {strides = array<i32>} : memref<20000xi32, #tpu.memory_space<vmem>>, vector<16xi32>,
      %parallel_loop3A_310 = arith.index_cast %parallel_loop3A_307 : i32 to index
      %parallel_loop3A_311 = tpu.vector_load %arg10[%parallel_loop3A_310] {strides = array<i32>} : memref<20000xi32, #tpu.memory_space<vmem>>, vector<16xi32>,
      %parallel_loop3A_312 = tpu.vector_load_idx %arg11[%parallel_loop3A_309] : memref<10240xf32, #tpu.memory_space<vmem>>[vector<16xi32>], vector<16xf32>,
      %parallel_loop3A_313 = arith.constant 7 : i32
      %parallel_loop3A_314 = vector.broadcast %parallel_loop3A_313 : i32 to vector<16xi32>
      %parallel_loop3A_315 = arith.shrui %parallel_loop3A_311, %parallel_loop3A_314 : vector<16xi32>
      %parallel_loop3A_316 = arith.constant 127 : i32
      %parallel_loop3A_317 = vector.broadcast %parallel_loop3A_316 : i32 to vector<16xi32>
      %parallel_loop3A_318 = arith.andi %parallel_loop3A_311, %parallel_loop3A_317 : vector<16xi32>
      tpu.vector_store_idx %arg12[%parallel_loop3A_315, %parallel_loop3A_318], %parallel_loop3A_312 {add = true} : memref<80x128xf32, #tpu.memory_space<vmem>>[vector<16xi32>, vector<16xi32>], vector<16xf32>,
    } {sc.loop_unroll_factor = 8 : i64, sc.parallel_access}
    "tpu.region"() ({
      %run_scoped3A = tpu.sem_alloc : memref<!tpu.dma_semaphore, #tpu.memory_space<semaphore_mem>>
      %dma_start3A_305 = arith.constant 0 : i32
      %dma_start3A_306 = arith.constant 0 : i32
      %dma_start3A_307 = tpu.memref_slice %arg22[%dma_start3A_305, %dma_start3A_306] : memref<80x128xf32, #tpu.memory_space<vmem_shared>> -> memref<80x128xf32, #tpu.memory_space<vmem_shared>>
      tpu.enqueue_indirect_dma source(%arg12 : memref<80x128xf32, #tpu.memory_space<vmem>>) target(%dma_start3A_307 : memref<80x128xf32, #tpu.memory_space<vmem_shared>>) offsets(%arg13 : memref<80xi32, #tpu.memory_space<vmem>>) semaphore(%run_scoped3A : memref<!tpu.dma_semaphore, #tpu.memory_space<semaphore_mem>>) {add = true}
      %dma_wait3A_308 = arith.constant 0 : i32
      %dma_wait3A_309 = arith.constant 0 : i32
      %dma_wait3A_310 = tpu.memref_slice %arg22[%dma_wait3A_308, %dma_wait3A_309] : memref<80x128xf32, #tpu.memory_space<vmem_shared>> -> memref<80x128xf32, #tpu.memory_space<vmem_shared>>
      tpu.wait_indirect_dma semaphore(%run_scoped3A : memref<!tpu.dma_semaphore, #tpu.memory_space<semaphore_mem>>) src(%arg12 : memref<80x128xf32, #tpu.memory_space<vmem>>) dst(%dma_wait3A_310 : memref<80x128xf32, #tpu.memory_space<vmem_shared>>)
      tpu.yield
    }) : () -> ()
    %scan3A_203 = arith.constant 0 : i32
    %scan3A_204 = arith.constant 0 : i32
    %scan3A_205 = arith.constant 80 : i32
    %scan3A_206 = arith.addi %scan3A_204, %scan3A_205 : i32
    %scan3A_207 = arith.constant 1 : i32
    %scan3A_208 = scf.for %scan3A_305 = %scan3A_204 to %scan3A_206 step %scan3A_207 iter_args(%scan3A_306 = %scan3A_203) -> (i32)  : i32 {
      %swap3A_307 = arith.index_cast %scan3A_305 : i32 to index
      %swap3A_308 = arith.constant 0 : index
      %swap3A_309 = tpu.vector_load %arg12[%swap3A_307, %swap3A_308] {strides = array<i32>} : memref<80x128xf32, #tpu.memory_space<vmem>>, vector<16xf32>,
      tpu.vector_store %arg12[%swap3A_307, %swap3A_308], %broadcast_in_dim3A_0 {strides = array<i32>} : memref<80x128xf32, #tpu.memory_space<vmem>>, vector<16xf32>,
      %swap3A_310 = arith.index_cast %scan3A_305 : i32 to index
      %swap3A_311 = arith.constant 16 : index
      %swap3A_312 = tpu.vector_load %arg12[%swap3A_310, %swap3A_311] {strides = array<i32>} : memref<80x128xf32, #tpu.memory_space<vmem>>, vector<16xf32>,
      tpu.vector_store %arg12[%swap3A_310, %swap3A_311], %broadcast_in_dim3A_0 {strides = array<i32>} : memref<80x128xf32, #tpu.memory_space<vmem>>, vector<16xf32>,
      %swap3A_313 = arith.index_cast %scan3A_305 : i32 to index
      %swap3A_314 = arith.constant 32 : index
      %swap3A_315 = tpu.vector_load %arg12[%swap3A_313, %swap3A_314] {strides = array<i32>} : memref<80x128xf32, #tpu.memory_space<vmem>>, vector<16xf32>,
      tpu.vector_store %arg12[%swap3A_313, %swap3A_314], %broadcast_in_dim3A_0 {strides = array<i32>} : memref<80x128xf32, #tpu.memory_space<vmem>>, vector<16xf32>,
      %swap3A_316 = arith.index_cast %scan3A_305 : i32 to index
      %swap3A_317 = arith.constant 48 : index
      %swap3A_318 = tpu.vector_load %arg12[%swap3A_316, %swap3A_317] {strides = array<i32>} : memref<80x128xf32, #tpu.memory_space<vmem>>, vector<16xf32>,
      tpu.vector_store %arg12[%swap3A_316, %swap3A_317], %broadcast_in_dim3A_0 {strides = array<i32>} : memref<80x128xf32, #tpu.memory_space<vmem>>, vector<16xf32>,
      %swap3A_319 = arith.index_cast %scan3A_305 : i32 to index
      %swap3A_320 = arith.constant 64 : index
      %swap3A_321 = tpu.vector_load %arg12[%swap3A_319, %swap3A_320] {strides = array<i32>} : memref<80x128xf32, #tpu.memory_space<vmem>>, vector<16xf32>,
      tpu.vector_store %arg12[%swap3A_319, %swap3A_320], %broadcast_in_dim3A_0 {strides = array<i32>} : memref<80x128xf32, #tpu.memory_space<vmem>>, vector<16xf32>,
      %swap3A_322 = arith.index_cast %scan3A_305 : i32 to index
      %swap3A_323 = arith.constant 80 : index
      %swap3A_324 = tpu.vector_load %arg12[%swap3A_322, %swap3A_323] {strides = array<i32>} : memref<80x128xf32, #tpu.memory_space<vmem>>, vector<16xf32>,
      tpu.vector_store %arg12[%swap3A_322, %swap3A_323], %broadcast_in_dim3A_0 {strides = array<i32>} : memref<80x128xf32, #tpu.memory_space<vmem>>, vector<16xf32>,
      %swap3A_325 = arith.index_cast %scan3A_305 : i32 to index
      %swap3A_326 = arith.constant 96 : index
      %swap3A_327 = tpu.vector_load %arg12[%swap3A_325, %swap3A_326] {strides = array<i32>} : memref<80x128xf32, #tpu.memory_space<vmem>>, vector<16xf32>,
      tpu.vector_store %arg12[%swap3A_325, %swap3A_326], %broadcast_in_dim3A_0 {strides = array<i32>} : memref<80x128xf32, #tpu.memory_space<vmem>>, vector<16xf32>,
      %swap3A_328 = arith.index_cast %scan3A_305 : i32 to index
      %swap3A_329 = arith.constant 112 : index
      %swap3A_330 = tpu.vector_load %arg12[%swap3A_328, %swap3A_329] {strides = array<i32>} : memref<80x128xf32, #tpu.memory_space<vmem>>, vector<16xf32>,
      tpu.vector_store %arg12[%swap3A_328, %swap3A_329], %broadcast_in_dim3A_0 {strides = array<i32>} : memref<80x128xf32, #tpu.memory_space<vmem>>, vector<16xf32>,
      %scan3A_331 = arith.constant 0 : i32
      scf.yield %scan3A_331 : i32
    }
    %scan3A_209 = arith.constant 80 : i32
    %barrier3A_210 = arith.constant 0 : index
    tpu.barrier barrier_id(%barrier3A_210)
    %mul3A_211 = arith.constant 5 : i32
    %mul3A_212 = arith.muli %arg1, %mul3A_211 : i32
    "tpu.region"() ({
      %run_scoped3A = tpu.sem_alloc : memref<!tpu.dma_semaphore, #tpu.memory_space<semaphore_mem>>
      %dma_start3A_305 = arith.constant 0 : i32
      %dma_start3A_306 = tpu.memref_slice %arg22[%mul3A_212, %dma_start3A_305] : memref<80x128xf32, #tpu.memory_space<vmem_shared>> -> memref<5x128xf32, #tpu.memory_space<vmem_shared>>
      %dma_start3A_307 = arith.constant 0 : i32
      %dma_start3A_308 = tpu.memref_slice %arg22[%mul3A_212, %dma_start3A_307] : memref<80x128xf32, #tpu.memory_space<vmem_shared>> -> memref<5x128xf32, #tpu.memory_space<vmem_shared>>
      tpu.enqueue_dma source(%dma_start3A_308 : memref<5x128xf32, #tpu.memory_space<vmem_shared>>) target(%arg15 : memref<5x128xf32, #tpu.memory_space<vmem>>) target_semaphore(%run_scoped3A : memref<!tpu.dma_semaphore, #tpu.memory_space<semaphore_mem>>)
      %dma_wait3A_309 = arith.constant 0 : i32
      %dma_wait3A_310 = tpu.memref_slice %arg22[%mul3A_212, %dma_wait3A_309] : memref<80x128xf32, #tpu.memory_space<vmem_shared>> -> memref<5x128xf32, #tpu.memory_space<vmem_shared>>
      %dma_wait3A_311 = arith.constant 0 : i32
      %dma_wait3A_312 = tpu.memref_slice %arg22[%mul3A_212, %dma_wait3A_311] : memref<80x128xf32, #tpu.memory_space<vmem_shared>> -> memref<5x128xf32, #tpu.memory_space<vmem_shared>>
      tpu.wait_dma2 semaphore(%run_scoped3A : memref<!tpu.dma_semaphore, #tpu.memory_space<semaphore_mem>>) src(%dma_wait3A_312 : memref<5x128xf32, #tpu.memory_space<vmem_shared>>) dst(%arg15 : memref<5x128xf32, #tpu.memory_space<vmem>>)
      tpu.yield
    }) : () -> ()
    %mul3A_213 = arith.constant 5 : i32
    %mul3A_214 = arith.muli %arg1, %mul3A_213 : i32
    "tpu.region"() ({
      %run_scoped3A = tpu.sem_alloc : memref<!tpu.dma_semaphore, #tpu.memory_space<semaphore_mem>>
      %dma_start3A_305 = arith.constant 0 : i32
      %dma_start3A_306 = tpu.memref_slice %arg22[%mul3A_214, %dma_start3A_305] : memref<80x128xf32, #tpu.memory_space<vmem_shared>> -> memref<5x128xf32, #tpu.memory_space<vmem_shared>>
      %dma_start3A_307 = arith.constant 0 : i32
      %dma_start3A_308 = tpu.memref_slice %arg22[%mul3A_214, %dma_start3A_307] : memref<80x128xf32, #tpu.memory_space<vmem_shared>> -> memref<5x128xf32, #tpu.memory_space<vmem_shared>>
      tpu.enqueue_dma source(%arg14 : memref<5x128xf32, #tpu.memory_space<vmem>>) target(%dma_start3A_308 : memref<5x128xf32, #tpu.memory_space<vmem_shared>>) target_semaphore(%run_scoped3A : memref<!tpu.dma_semaphore, #tpu.memory_space<semaphore_mem>>)
      %dma_wait3A_309 = arith.constant 0 : i32
      %dma_wait3A_310 = tpu.memref_slice %arg22[%mul3A_214, %dma_wait3A_309] : memref<80x128xf32, #tpu.memory_space<vmem_shared>> -> memref<5x128xf32, #tpu.memory_space<vmem_shared>>
      %dma_wait3A_311 = arith.constant 0 : i32
      %dma_wait3A_312 = tpu.memref_slice %arg22[%mul3A_214, %dma_wait3A_311] : memref<80x128xf32, #tpu.memory_space<vmem_shared>> -> memref<5x128xf32, #tpu.memory_space<vmem_shared>>
      tpu.wait_dma2 semaphore(%run_scoped3A : memref<!tpu.dma_semaphore, #tpu.memory_space<semaphore_mem>>) src(%arg14 : memref<5x128xf32, #tpu.memory_space<vmem>>) dst(%dma_wait3A_312 : memref<5x128xf32, #tpu.memory_space<vmem_shared>>)
      tpu.yield
    }) : () -> ()
    %get3A = arith.constant 0 : index
    %get3A_215 = tpu.vector_load %arg19[%get3A] {strides = array<i32>} : memref<144xf32, #tpu.memory_space<vmem>>, vector<16xf32>,
    %get3A_216 = arith.constant 16 : index
    %get3A_217 = tpu.vector_load %arg19[%get3A_216] {strides = array<i32>} : memref<144xf32, #tpu.memory_space<vmem>>, vector<16xf32>,
    %get3A_218 = arith.constant 32 : index
    %get3A_219 = tpu.vector_load %arg19[%get3A_218] {strides = array<i32>} : memref<144xf32, #tpu.memory_space<vmem>>, vector<16xf32>,
    %parallel_loop3A_220 = arith.constant 0 : i32
    %parallel_loop3A_221 = arith.constant 40 : i32
    %parallel_loop3A_222 = arith.constant 1 : i32
    %parallel_loop3A_223 = scf.for %parallel_loop3A_305 = %parallel_loop3A_220 to %parallel_loop3A_221 step %parallel_loop3A_222 iter_args(%parallel_loop3A_306 = %broadcast_in_dim3A_0) -> (vector<16xf32>)  : i32 {
      %parallel_loop3A_307 = arith.constant 3 : i32
      %parallel_loop3A_308 = arith.shrui %parallel_loop3A_305, %parallel_loop3A_307 : i32
      %parallel_loop3A_309 = arith.constant 7 : i32
      %parallel_loop3A_310 = arith.andi %parallel_loop3A_305, %parallel_loop3A_309 : i32
      %parallel_loop3A_311 = arith.constant 16 : i32
      %parallel_loop3A_312 = arith.muli %parallel_loop3A_310, %parallel_loop3A_311 : i32
      %parallel_loop3A_313 = arith.index_cast %parallel_loop3A_308 : i32 to index
      %parallel_loop3A_314 = arith.index_cast %parallel_loop3A_312 : i32 to index
      %parallel_loop3A_315 = tpu.vector_load %arg15[%parallel_loop3A_313, %parallel_loop3A_314] {strides = array<i32>} : memref<5x128xf32, #tpu.memory_space<vmem>>, vector<16xf32>,
      %parallel_loop3A_316 = arith.addf %parallel_loop3A_315, %get3A_217 : vector<16xf32>
      %parallel_loop3A_317 = arith.constant 16 : i32
      %parallel_loop3A_318 = arith.muli %parallel_loop3A_305, %parallel_loop3A_317 : i32
      %parallel_loop3A_319 = arith.index_cast %parallel_loop3A_318 : i32 to index
      %parallel_loop3A_320 = tpu.vector_load %arg18[%parallel_loop3A_319] {strides = array<i32>} : memref<640xf32, #tpu.memory_space<vmem>>, vector<16xf32>,
      %parallel_loop3A_321 = arith.addf %parallel_loop3A_316, %parallel_loop3A_320 : vector<16xf32>
      %parallel_loop3A_322 = arith.constant 0.000000e+00 : f32
      %parallel_loop3A_323 = vector.broadcast %parallel_loop3A_322 : f32 to vector<16xf32>
      %parallel_loop3A_324 = arith.maximumf %parallel_loop3A_321, %parallel_loop3A_323 : vector<16xf32>
      %parallel_loop3A_325 = tpu.iota {dimensions = array<i32: 0>} : vector<16xi32>
      %parallel_loop3A_326 = arith.constant 640 : i32
      %parallel_loop3A_327 = arith.muli %arg1, %parallel_loop3A_326 : i32
      %parallel_loop3A_328 = vector.broadcast %parallel_loop3A_327 : i32 to vector<16xi32>
      %parallel_loop3A_329 = arith.addi %parallel_loop3A_325, %parallel_loop3A_328 : vector<16xi32>
      %parallel_loop3A_330 = arith.constant 16 : i32
      %parallel_loop3A_331 = arith.muli %parallel_loop3A_305, %parallel_loop3A_330 : i32
      %parallel_loop3A_332 = vector.broadcast %parallel_loop3A_331 : i32 to vector<16xi32>
      %parallel_loop3A_333 = arith.addi %parallel_loop3A_329, %parallel_loop3A_332 : vector<16xi32>
      %parallel_loop3A_334 = arith.constant 10000 : i32
      %parallel_loop3A_335 = vector.broadcast %parallel_loop3A_334 : i32 to vector<16xi32>
      %parallel_loop3A_336 = arith.cmpi slt, %parallel_loop3A_333, %parallel_loop3A_335 : vector<16xi32>
      %parallel_loop3A_337 = arith.constant 0.000000e+00 : f32
      %parallel_loop3A_338 = vector.broadcast %parallel_loop3A_337 : f32 to vector<16xf32>
      %parallel_loop3A_339 = arith.select %parallel_loop3A_336, %parallel_loop3A_324, %parallel_loop3A_338 : vector<16xi1>, vector<16xf32>
      %parallel_loop3A_340 = arith.constant 16 : i32
      %parallel_loop3A_341 = arith.muli %parallel_loop3A_305, %parallel_loop3A_340 : i32
      %parallel_loop3A_342 = arith.index_cast %parallel_loop3A_341 : i32 to index
      %parallel_loop3A_343 = tpu.vector_load %arg16[%parallel_loop3A_342] {strides = array<i32>} : memref<640xf32, #tpu.memory_space<vmem>>, vector<16xf32>,
      tpu.vector_store %arg16[%parallel_loop3A_342], %parallel_loop3A_339 {strides = array<i32>} : memref<640xf32, #tpu.memory_space<vmem>>, vector<16xf32>,
      %parallel_loop3A_344 = arith.addf %parallel_loop3A_306, %parallel_loop3A_339 : vector<16xf32>
      scf.yield %parallel_loop3A_344 : vector<16xf32>
    } {sc.loop_unroll_factor = 4 : i64, sc.parallel_access}
    %mul3A_224 = arith.constant 640 : i32
    %mul3A_225 = arith.muli %arg1, %mul3A_224 : i32
    %dma_start3A_226 = tpu.memref_slice %arg5[%mul3A_225] : memref<10240xf32, #tpu.memory_space<hbm>> -> memref<640xf32, #tpu.memory_space<hbm>>
    %dma_start3A_227 = tpu.memref_slice %arg5[%mul3A_225] : memref<10240xf32, #tpu.memory_space<hbm>> -> memref<640xf32, #tpu.memory_space<hbm>>
    tpu.enqueue_dma source(%arg16 : memref<640xf32, #tpu.memory_space<vmem>>) target(%dma_start3A_227 : memref<640xf32, #tpu.memory_space<hbm>>) target_semaphore(%arg27 : memref<!tpu.dma_semaphore, #tpu.memory_space<semaphore_mem>>)
    %mul3A_228 = arith.constant 640 : i32
    %mul3A_229 = arith.muli %arg1, %mul3A_228 : i32
    "tpu.region"() ({
      %run_scoped3A = tpu.sem_alloc : memref<!tpu.dma_semaphore, #tpu.memory_space<semaphore_mem>>
      %dma_start3A_305 = tpu.memref_slice %arg23[%mul3A_229] : memref<10240xf32, #tpu.memory_space<vmem_shared>> -> memref<640xf32, #tpu.memory_space<vmem_shared>>
      %dma_start3A_306 = tpu.memref_slice %arg23[%mul3A_229] : memref<10240xf32, #tpu.memory_space<vmem_shared>> -> memref<640xf32, #tpu.memory_space<vmem_shared>>
      tpu.enqueue_dma source(%arg16 : memref<640xf32, #tpu.memory_space<vmem>>) target(%dma_start3A_306 : memref<640xf32, #tpu.memory_space<vmem_shared>>) target_semaphore(%run_scoped3A : memref<!tpu.dma_semaphore, #tpu.memory_space<semaphore_mem>>)
      %dma_wait3A_307 = tpu.memref_slice %arg23[%mul3A_229] : memref<10240xf32, #tpu.memory_space<vmem_shared>> -> memref<640xf32, #tpu.memory_space<vmem_shared>>
      %dma_wait3A_308 = tpu.memref_slice %arg23[%mul3A_229] : memref<10240xf32, #tpu.memory_space<vmem_shared>> -> memref<640xf32, #tpu.memory_space<vmem_shared>>
      tpu.wait_dma2 semaphore(%run_scoped3A : memref<!tpu.dma_semaphore, #tpu.memory_space<semaphore_mem>>) src(%arg16 : memref<640xf32, #tpu.memory_space<vmem>>) dst(%dma_wait3A_308 : memref<640xf32, #tpu.memory_space<vmem_shared>>)
      tpu.yield
    }) : () -> ()
    %barrier3A_230 = arith.constant 0 : index
    tpu.barrier barrier_id(%barrier3A_230)
    tpu.enqueue_dma source(%arg23 : memref<10240xf32, #tpu.memory_space<vmem_shared>>) target(%arg11 : memref<10240xf32, #tpu.memory_space<vmem>>) target_semaphore(%arg26 : memref<!tpu.dma_semaphore, #tpu.memory_space<semaphore_mem>>)
    tpu.wait_dma2 semaphore(%arg26 : memref<!tpu.dma_semaphore, #tpu.memory_space<semaphore_mem>>) src(%arg23 : memref<10240xf32, #tpu.memory_space<vmem_shared>>) dst(%arg11 : memref<10240xf32, #tpu.memory_space<vmem>>)
    %parallel_loop3A_231 = arith.constant 0 : i32
    %parallel_loop3A_232 = arith.constant 1250 : i32
    %parallel_loop3A_233 = arith.constant 1 : i32
    scf.for %parallel_loop3A_305 = %parallel_loop3A_231 to %parallel_loop3A_232 step %parallel_loop3A_233  : i32 {
      %parallel_loop3A_306 = arith.constant 16 : i32
      %parallel_loop3A_307 = arith.muli %parallel_loop3A_305, %parallel_loop3A_306 : i32
      %parallel_loop3A_308 = arith.index_cast %parallel_loop3A_307 : i32 to index
      %parallel_loop3A_309 = tpu.vector_load %arg9[%parallel_loop3A_308] {strides = array<i32>} : memref<20000xi32, #tpu.memory_space<vmem>>, vector<16xi32>,
      %parallel_loop3A_310 = arith.index_cast %parallel_loop3A_307 : i32 to index
      %parallel_loop3A_311 = tpu.vector_load %arg10[%parallel_loop3A_310] {strides = array<i32>} : memref<20000xi32, #tpu.memory_space<vmem>>, vector<16xi32>,
      %parallel_loop3A_312 = tpu.vector_load_idx %arg11[%parallel_loop3A_309] : memref<10240xf32, #tpu.memory_space<vmem>>[vector<16xi32>], vector<16xf32>,
      %parallel_loop3A_313 = arith.constant 7 : i32
      %parallel_loop3A_314 = vector.broadcast %parallel_loop3A_313 : i32 to vector<16xi32>
      %parallel_loop3A_315 = arith.shrui %parallel_loop3A_311, %parallel_loop3A_314 : vector<16xi32>
      %parallel_loop3A_316 = arith.constant 127 : i32
      %parallel_loop3A_317 = vector.broadcast %parallel_loop3A_316 : i32 to vector<16xi32>
      %parallel_loop3A_318 = arith.andi %parallel_loop3A_311, %parallel_loop3A_317 : vector<16xi32>
      tpu.vector_store_idx %arg12[%parallel_loop3A_315, %parallel_loop3A_318], %parallel_loop3A_312 {add = true} : memref<80x128xf32, #tpu.memory_space<vmem>>[vector<16xi32>, vector<16xi32>], vector<16xf32>,
    } {sc.loop_unroll_factor = 8 : i64, sc.parallel_access}
    "tpu.region"() ({
      %run_scoped3A = tpu.sem_alloc : memref<!tpu.dma_semaphore, #tpu.memory_space<semaphore_mem>>
      %dma_start3A_305 = arith.constant 0 : i32
      %dma_start3A_306 = arith.constant 0 : i32
      %dma_start3A_307 = tpu.memref_slice %arg22[%dma_start3A_305, %dma_start3A_306] : memref<80x128xf32, #tpu.memory_space<vmem_shared>> -> memref<80x128xf32, #tpu.memory_space<vmem_shared>>
      tpu.enqueue_indirect_dma source(%arg12 : memref<80x128xf32, #tpu.memory_space<vmem>>) target(%dma_start3A_307 : memref<80x128xf32, #tpu.memory_space<vmem_shared>>) offsets(%arg13 : memref<80xi32, #tpu.memory_space<vmem>>) semaphore(%run_scoped3A : memref<!tpu.dma_semaphore, #tpu.memory_space<semaphore_mem>>) {add = true}
      %dma_wait3A_308 = arith.constant 0 : i32
      %dma_wait3A_309 = arith.constant 0 : i32
      %dma_wait3A_310 = tpu.memref_slice %arg22[%dma_wait3A_308, %dma_wait3A_309] : memref<80x128xf32, #tpu.memory_space<vmem_shared>> -> memref<80x128xf32, #tpu.memory_space<vmem_shared>>
      tpu.wait_indirect_dma semaphore(%run_scoped3A : memref<!tpu.dma_semaphore, #tpu.memory_space<semaphore_mem>>) src(%arg12 : memref<80x128xf32, #tpu.memory_space<vmem>>) dst(%dma_wait3A_310 : memref<80x128xf32, #tpu.memory_space<vmem_shared>>)
      tpu.yield
    }) : () -> ()
    %scan3A_234 = arith.constant 0 : i32
    %scan3A_235 = arith.constant 0 : i32
    %scan3A_236 = arith.constant 80 : i32
    %scan3A_237 = arith.addi %scan3A_235, %scan3A_236 : i32
    %scan3A_238 = arith.constant 1 : i32
    %scan3A_239 = scf.for %scan3A_305 = %scan3A_235 to %scan3A_237 step %scan3A_238 iter_args(%scan3A_306 = %scan3A_234) -> (i32)  : i32 {
      %swap3A_307 = arith.index_cast %scan3A_305 : i32 to index
      %swap3A_308 = arith.constant 0 : index
      %swap3A_309 = tpu.vector_load %arg12[%swap3A_307, %swap3A_308] {strides = array<i32>} : memref<80x128xf32, #tpu.memory_space<vmem>>, vector<16xf32>,
      tpu.vector_store %arg12[%swap3A_307, %swap3A_308], %broadcast_in_dim3A_0 {strides = array<i32>} : memref<80x128xf32, #tpu.memory_space<vmem>>, vector<16xf32>,
      %swap3A_310 = arith.index_cast %scan3A_305 : i32 to index
      %swap3A_311 = arith.constant 16 : index
      %swap3A_312 = tpu.vector_load %arg12[%swap3A_310, %swap3A_311] {strides = array<i32>} : memref<80x128xf32, #tpu.memory_space<vmem>>, vector<16xf32>,
      tpu.vector_store %arg12[%swap3A_310, %swap3A_311], %broadcast_in_dim3A_0 {strides = array<i32>} : memref<80x128xf32, #tpu.memory_space<vmem>>, vector<16xf32>,
      %swap3A_313 = arith.index_cast %scan3A_305 : i32 to index
      %swap3A_314 = arith.constant 32 : index
      %swap3A_315 = tpu.vector_load %arg12[%swap3A_313, %swap3A_314] {strides = array<i32>} : memref<80x128xf32, #tpu.memory_space<vmem>>, vector<16xf32>,
      tpu.vector_store %arg12[%swap3A_313, %swap3A_314], %broadcast_in_dim3A_0 {strides = array<i32>} : memref<80x128xf32, #tpu.memory_space<vmem>>, vector<16xf32>,
      %swap3A_316 = arith.index_cast %scan3A_305 : i32 to index
      %swap3A_317 = arith.constant 48 : index
      %swap3A_318 = tpu.vector_load %arg12[%swap3A_316, %swap3A_317] {strides = array<i32>} : memref<80x128xf32, #tpu.memory_space<vmem>>, vector<16xf32>,
      tpu.vector_store %arg12[%swap3A_316, %swap3A_317], %broadcast_in_dim3A_0 {strides = array<i32>} : memref<80x128xf32, #tpu.memory_space<vmem>>, vector<16xf32>,
      %swap3A_319 = arith.index_cast %scan3A_305 : i32 to index
      %swap3A_320 = arith.constant 64 : index
      %swap3A_321 = tpu.vector_load %arg12[%swap3A_319, %swap3A_320] {strides = array<i32>} : memref<80x128xf32, #tpu.memory_space<vmem>>, vector<16xf32>,
      tpu.vector_store %arg12[%swap3A_319, %swap3A_320], %broadcast_in_dim3A_0 {strides = array<i32>} : memref<80x128xf32, #tpu.memory_space<vmem>>, vector<16xf32>,
      %swap3A_322 = arith.index_cast %scan3A_305 : i32 to index
      %swap3A_323 = arith.constant 80 : index
      %swap3A_324 = tpu.vector_load %arg12[%swap3A_322, %swap3A_323] {strides = array<i32>} : memref<80x128xf32, #tpu.memory_space<vmem>>, vector<16xf32>,
      tpu.vector_store %arg12[%swap3A_322, %swap3A_323], %broadcast_in_dim3A_0 {strides = array<i32>} : memref<80x128xf32, #tpu.memory_space<vmem>>, vector<16xf32>,
      %swap3A_325 = arith.index_cast %scan3A_305 : i32 to index
      %swap3A_326 = arith.constant 96 : index
      %swap3A_327 = tpu.vector_load %arg12[%swap3A_325, %swap3A_326] {strides = array<i32>} : memref<80x128xf32, #tpu.memory_space<vmem>>, vector<16xf32>,
      tpu.vector_store %arg12[%swap3A_325, %swap3A_326], %broadcast_in_dim3A_0 {strides = array<i32>} : memref<80x128xf32, #tpu.memory_space<vmem>>, vector<16xf32>,
      %swap3A_328 = arith.index_cast %scan3A_305 : i32 to index
      %swap3A_329 = arith.constant 112 : index
      %swap3A_330 = tpu.vector_load %arg12[%swap3A_328, %swap3A_329] {strides = array<i32>} : memref<80x128xf32, #tpu.memory_space<vmem>>, vector<16xf32>,
      tpu.vector_store %arg12[%swap3A_328, %swap3A_329], %broadcast_in_dim3A_0 {strides = array<i32>} : memref<80x128xf32, #tpu.memory_space<vmem>>, vector<16xf32>,
      %scan3A_331 = arith.constant 0 : i32
      scf.yield %scan3A_331 : i32
    }
    %scan3A_240 = arith.constant 80 : i32
    %barrier3A_241 = arith.constant 0 : index
    tpu.barrier barrier_id(%barrier3A_241)
    %mul3A_242 = arith.constant 5 : i32
    %mul3A_243 = arith.muli %arg1, %mul3A_242 : i32
    "tpu.region"() ({
      %run_scoped3A = tpu.sem_alloc : memref<!tpu.dma_semaphore, #tpu.memory_space<semaphore_mem>>
      %dma_start3A_305 = arith.constant 0 : i32
      %dma_start3A_306 = tpu.memref_slice %arg22[%mul3A_243, %dma_start3A_305] : memref<80x128xf32, #tpu.memory_space<vmem_shared>> -> memref<5x128xf32, #tpu.memory_space<vmem_shared>>
      %dma_start3A_307 = arith.constant 0 : i32
      %dma_start3A_308 = tpu.memref_slice %arg22[%mul3A_243, %dma_start3A_307] : memref<80x128xf32, #tpu.memory_space<vmem_shared>> -> memref<5x128xf32, #tpu.memory_space<vmem_shared>>
      tpu.enqueue_dma source(%dma_start3A_308 : memref<5x128xf32, #tpu.memory_space<vmem_shared>>) target(%arg15 : memref<5x128xf32, #tpu.memory_space<vmem>>) target_semaphore(%run_scoped3A : memref<!tpu.dma_semaphore, #tpu.memory_space<semaphore_mem>>)
      %dma_wait3A_309 = arith.constant 0 : i32
      %dma_wait3A_310 = tpu.memref_slice %arg22[%mul3A_243, %dma_wait3A_309] : memref<80x128xf32, #tpu.memory_space<vmem_shared>> -> memref<5x128xf32, #tpu.memory_space<vmem_shared>>
      %dma_wait3A_311 = arith.constant 0 : i32
      %dma_wait3A_312 = tpu.memref_slice %arg22[%mul3A_243, %dma_wait3A_311] : memref<80x128xf32, #tpu.memory_space<vmem_shared>> -> memref<5x128xf32, #tpu.memory_space<vmem_shared>>
      tpu.wait_dma2 semaphore(%run_scoped3A : memref<!tpu.dma_semaphore, #tpu.memory_space<semaphore_mem>>) src(%dma_wait3A_312 : memref<5x128xf32, #tpu.memory_space<vmem_shared>>) dst(%arg15 : memref<5x128xf32, #tpu.memory_space<vmem>>)
      tpu.yield
    }) : () -> ()
    %mul3A_244 = arith.constant 5 : i32
    %mul3A_245 = arith.muli %arg1, %mul3A_244 : i32
    "tpu.region"() ({
      %run_scoped3A = tpu.sem_alloc : memref<!tpu.dma_semaphore, #tpu.memory_space<semaphore_mem>>
      %dma_start3A_305 = arith.constant 0 : i32
      %dma_start3A_306 = tpu.memref_slice %arg22[%mul3A_245, %dma_start3A_305] : memref<80x128xf32, #tpu.memory_space<vmem_shared>> -> memref<5x128xf32, #tpu.memory_space<vmem_shared>>
      %dma_start3A_307 = arith.constant 0 : i32
      %dma_start3A_308 = tpu.memref_slice %arg22[%mul3A_245, %dma_start3A_307] : memref<80x128xf32, #tpu.memory_space<vmem_shared>> -> memref<5x128xf32, #tpu.memory_space<vmem_shared>>
      tpu.enqueue_dma source(%arg14 : memref<5x128xf32, #tpu.memory_space<vmem>>) target(%dma_start3A_308 : memref<5x128xf32, #tpu.memory_space<vmem_shared>>) target_semaphore(%run_scoped3A : memref<!tpu.dma_semaphore, #tpu.memory_space<semaphore_mem>>)
      %dma_wait3A_309 = arith.constant 0 : i32
      %dma_wait3A_310 = tpu.memref_slice %arg22[%mul3A_245, %dma_wait3A_309] : memref<80x128xf32, #tpu.memory_space<vmem_shared>> -> memref<5x128xf32, #tpu.memory_space<vmem_shared>>
      %dma_wait3A_311 = arith.constant 0 : i32
      %dma_wait3A_312 = tpu.memref_slice %arg22[%mul3A_245, %dma_wait3A_311] : memref<80x128xf32, #tpu.memory_space<vmem_shared>> -> memref<5x128xf32, #tpu.memory_space<vmem_shared>>
      tpu.wait_dma2 semaphore(%run_scoped3A : memref<!tpu.dma_semaphore, #tpu.memory_space<semaphore_mem>>) src(%arg14 : memref<5x128xf32, #tpu.memory_space<vmem>>) dst(%dma_wait3A_312 : memref<5x128xf32, #tpu.memory_space<vmem_shared>>)
      tpu.yield
    }) : () -> ()
    %get3A_246 = arith.constant 48 : index
    %get3A_247 = tpu.vector_load %arg19[%get3A_246] {strides = array<i32>} : memref<144xf32, #tpu.memory_space<vmem>>, vector<16xf32>,
    %get3A_248 = arith.constant 64 : index
    %get3A_249 = tpu.vector_load %arg19[%get3A_248] {strides = array<i32>} : memref<144xf32, #tpu.memory_space<vmem>>, vector<16xf32>,
    %get3A_250 = arith.constant 80 : index
    %get3A_251 = tpu.vector_load %arg19[%get3A_250] {strides = array<i32>} : memref<144xf32, #tpu.memory_space<vmem>>, vector<16xf32>,
    %parallel_loop3A_252 = arith.constant 0 : i32
    %parallel_loop3A_253 = arith.constant 40 : i32
    %parallel_loop3A_254 = arith.constant 1 : i32
    %parallel_loop3A_255 = scf.for %parallel_loop3A_305 = %parallel_loop3A_252 to %parallel_loop3A_253 step %parallel_loop3A_254 iter_args(%parallel_loop3A_306 = %broadcast_in_dim3A_0) -> (vector<16xf32>)  : i32 {
      %parallel_loop3A_307 = arith.constant 3 : i32
      %parallel_loop3A_308 = arith.shrui %parallel_loop3A_305, %parallel_loop3A_307 : i32
      %parallel_loop3A_309 = arith.constant 7 : i32
      %parallel_loop3A_310 = arith.andi %parallel_loop3A_305, %parallel_loop3A_309 : i32
      %parallel_loop3A_311 = arith.constant 16 : i32
      %parallel_loop3A_312 = arith.muli %parallel_loop3A_310, %parallel_loop3A_311 : i32
      %parallel_loop3A_313 = arith.index_cast %parallel_loop3A_308 : i32 to index
      %parallel_loop3A_314 = arith.index_cast %parallel_loop3A_312 : i32 to index
      %parallel_loop3A_315 = tpu.vector_load %arg15[%parallel_loop3A_313, %parallel_loop3A_314] {strides = array<i32>} : memref<5x128xf32, #tpu.memory_space<vmem>>, vector<16xf32>,
      %parallel_loop3A_316 = arith.mulf %get3A_247, %parallel_loop3A_315 : vector<16xf32>
      %parallel_loop3A_317 = arith.addf %parallel_loop3A_316, %get3A_249 : vector<16xf32>
      %parallel_loop3A_318 = arith.constant 640 : i32
      %parallel_loop3A_319 = arith.muli %arg1, %parallel_loop3A_318 : i32
      %parallel_loop3A_320 = arith.constant 16 : i32
      %parallel_loop3A_321 = arith.muli %parallel_loop3A_305, %parallel_loop3A_320 : i32
      %parallel_loop3A_322 = arith.addi %parallel_loop3A_319, %parallel_loop3A_321 : i32
      %parallel_loop3A_323 = arith.index_cast %parallel_loop3A_322 : i32 to index
      %parallel_loop3A_324 = tpu.vector_load %arg11[%parallel_loop3A_323] {strides = array<i32>} : memref<10240xf32, #tpu.memory_space<vmem>>, vector<16xf32>,
      %parallel_loop3A_325 = arith.mulf %get3A_251, %parallel_loop3A_324 : vector<16xf32>
      %parallel_loop3A_326 = arith.addf %parallel_loop3A_317, %parallel_loop3A_325 : vector<16xf32>
      %parallel_loop3A_327 = arith.constant 0.000000e+00 : f32
      %parallel_loop3A_328 = vector.broadcast %parallel_loop3A_327 : f32 to vector<16xf32>
      %parallel_loop3A_329 = arith.maximumf %parallel_loop3A_326, %parallel_loop3A_328 : vector<16xf32>
      %parallel_loop3A_330 = tpu.iota {dimensions = array<i32: 0>} : vector<16xi32>
      %parallel_loop3A_331 = arith.constant 640 : i32
      %parallel_loop3A_332 = arith.muli %arg1, %parallel_loop3A_331 : i32
      %parallel_loop3A_333 = vector.broadcast %parallel_loop3A_332 : i32 to vector<16xi32>
      %parallel_loop3A_334 = arith.addi %parallel_loop3A_330, %parallel_loop3A_333 : vector<16xi32>
      %parallel_loop3A_335 = arith.constant 16 : i32
      %parallel_loop3A_336 = arith.muli %parallel_loop3A_305, %parallel_loop3A_335 : i32
      %parallel_loop3A_337 = vector.broadcast %parallel_loop3A_336 : i32 to vector<16xi32>
      %parallel_loop3A_338 = arith.addi %parallel_loop3A_334, %parallel_loop3A_337 : vector<16xi32>
      %parallel_loop3A_339 = arith.constant 10000 : i32
      %parallel_loop3A_340 = vector.broadcast %parallel_loop3A_339 : i32 to vector<16xi32>
      %parallel_loop3A_341 = arith.cmpi slt, %parallel_loop3A_338, %parallel_loop3A_340 : vector<16xi32>
      %parallel_loop3A_342 = arith.constant 0.000000e+00 : f32
      %parallel_loop3A_343 = vector.broadcast %parallel_loop3A_342 : f32 to vector<16xf32>
      %parallel_loop3A_344 = arith.select %parallel_loop3A_341, %parallel_loop3A_329, %parallel_loop3A_343 : vector<16xi1>, vector<16xf32>
      %parallel_loop3A_345 = arith.constant 16 : i32
      %parallel_loop3A_346 = arith.muli %parallel_loop3A_305, %parallel_loop3A_345 : i32
      %parallel_loop3A_347 = arith.index_cast %parallel_loop3A_346 : i32 to index
      %parallel_loop3A_348 = tpu.vector_load %arg17[%parallel_loop3A_347] {strides = array<i32>} : memref<640xf32, #tpu.memory_space<vmem>>, vector<16xf32>,
      tpu.vector_store %arg17[%parallel_loop3A_347], %parallel_loop3A_344 {strides = array<i32>} : memref<640xf32, #tpu.memory_space<vmem>>, vector<16xf32>,
      %parallel_loop3A_349 = arith.addf %parallel_loop3A_306, %parallel_loop3A_344 : vector<16xf32>
      scf.yield %parallel_loop3A_349 : vector<16xf32>
    } {sc.loop_unroll_factor = 4 : i64, sc.parallel_access}
    %mul3A_256 = arith.constant 640 : i32
    %mul3A_257 = arith.muli %arg1, %mul3A_256 : i32
    %dma_start3A_258 = tpu.memref_slice %arg6[%mul3A_257] : memref<10240xf32, #tpu.memory_space<hbm>> -> memref<640xf32, #tpu.memory_space<hbm>>
    %dma_start3A_259 = tpu.memref_slice %arg6[%mul3A_257] : memref<10240xf32, #tpu.memory_space<hbm>> -> memref<640xf32, #tpu.memory_space<hbm>>
    tpu.enqueue_dma source(%arg17 : memref<640xf32, #tpu.memory_space<vmem>>) target(%dma_start3A_259 : memref<640xf32, #tpu.memory_space<hbm>>) target_semaphore(%arg28 : memref<!tpu.dma_semaphore, #tpu.memory_space<semaphore_mem>>)
    %mul3A_260 = arith.constant 640 : i32
    %mul3A_261 = arith.muli %arg1, %mul3A_260 : i32
    "tpu.region"() ({
      %run_scoped3A = tpu.sem_alloc : memref<!tpu.dma_semaphore, #tpu.memory_space<semaphore_mem>>
      %dma_start3A_305 = tpu.memref_slice %arg23[%mul3A_261] : memref<10240xf32, #tpu.memory_space<vmem_shared>> -> memref<640xf32, #tpu.memory_space<vmem_shared>>
      %dma_start3A_306 = tpu.memref_slice %arg23[%mul3A_261] : memref<10240xf32, #tpu.memory_space<vmem_shared>> -> memref<640xf32, #tpu.memory_space<vmem_shared>>
      tpu.enqueue_dma source(%arg17 : memref<640xf32, #tpu.memory_space<vmem>>) target(%dma_start3A_306 : memref<640xf32, #tpu.memory_space<vmem_shared>>) target_semaphore(%run_scoped3A : memref<!tpu.dma_semaphore, #tpu.memory_space<semaphore_mem>>)
      %dma_wait3A_307 = tpu.memref_slice %arg23[%mul3A_261] : memref<10240xf32, #tpu.memory_space<vmem_shared>> -> memref<640xf32, #tpu.memory_space<vmem_shared>>
      %dma_wait3A_308 = tpu.memref_slice %arg23[%mul3A_261] : memref<10240xf32, #tpu.memory_space<vmem_shared>> -> memref<640xf32, #tpu.memory_space<vmem_shared>>
      tpu.wait_dma2 semaphore(%run_scoped3A : memref<!tpu.dma_semaphore, #tpu.memory_space<semaphore_mem>>) src(%arg17 : memref<640xf32, #tpu.memory_space<vmem>>) dst(%dma_wait3A_308 : memref<640xf32, #tpu.memory_space<vmem_shared>>)
      tpu.yield
    }) : () -> ()
    %barrier3A_262 = arith.constant 0 : index
    tpu.barrier barrier_id(%barrier3A_262)
    tpu.enqueue_dma source(%arg23 : memref<10240xf32, #tpu.memory_space<vmem_shared>>) target(%arg11 : memref<10240xf32, #tpu.memory_space<vmem>>) target_semaphore(%arg26 : memref<!tpu.dma_semaphore, #tpu.memory_space<semaphore_mem>>)
    tpu.wait_dma2 semaphore(%arg26 : memref<!tpu.dma_semaphore, #tpu.memory_space<semaphore_mem>>) src(%arg23 : memref<10240xf32, #tpu.memory_space<vmem_shared>>) dst(%arg11 : memref<10240xf32, #tpu.memory_space<vmem>>)
    %parallel_loop3A_263 = arith.constant 0 : i32
    %parallel_loop3A_264 = arith.constant 1250 : i32
    %parallel_loop3A_265 = arith.constant 1 : i32
    scf.for %parallel_loop3A_305 = %parallel_loop3A_263 to %parallel_loop3A_264 step %parallel_loop3A_265  : i32 {
      %parallel_loop3A_306 = arith.constant 16 : i32
      %parallel_loop3A_307 = arith.muli %parallel_loop3A_305, %parallel_loop3A_306 : i32
      %parallel_loop3A_308 = arith.index_cast %parallel_loop3A_307 : i32 to index
      %parallel_loop3A_309 = tpu.vector_load %arg9[%parallel_loop3A_308] {strides = array<i32>} : memref<20000xi32, #tpu.memory_space<vmem>>, vector<16xi32>,
      %parallel_loop3A_310 = arith.index_cast %parallel_loop3A_307 : i32 to index
      %parallel_loop3A_311 = tpu.vector_load %arg10[%parallel_loop3A_310] {strides = array<i32>} : memref<20000xi32, #tpu.memory_space<vmem>>, vector<16xi32>,
      %parallel_loop3A_312 = tpu.vector_load_idx %arg11[%parallel_loop3A_309] : memref<10240xf32, #tpu.memory_space<vmem>>[vector<16xi32>], vector<16xf32>,
      %parallel_loop3A_313 = arith.constant 7 : i32
      %parallel_loop3A_314 = vector.broadcast %parallel_loop3A_313 : i32 to vector<16xi32>
      %parallel_loop3A_315 = arith.shrui %parallel_loop3A_311, %parallel_loop3A_314 : vector<16xi32>
      %parallel_loop3A_316 = arith.constant 127 : i32
      %parallel_loop3A_317 = vector.broadcast %parallel_loop3A_316 : i32 to vector<16xi32>
      %parallel_loop3A_318 = arith.andi %parallel_loop3A_311, %parallel_loop3A_317 : vector<16xi32>
      tpu.vector_store_idx %arg12[%parallel_loop3A_315, %parallel_loop3A_318], %parallel_loop3A_312 {add = true} : memref<80x128xf32, #tpu.memory_space<vmem>>[vector<16xi32>, vector<16xi32>], vector<16xf32>,
    } {sc.loop_unroll_factor = 8 : i64, sc.parallel_access}
    %dma_wait3A_266 = tpu.memref_slice %arg5[%mul3A_225] : memref<10240xf32, #tpu.memory_space<hbm>> -> memref<640xf32, #tpu.memory_space<hbm>>
    %dma_wait3A_267 = tpu.memref_slice %arg5[%mul3A_225] : memref<10240xf32, #tpu.memory_space<hbm>> -> memref<640xf32, #tpu.memory_space<hbm>>
    tpu.wait_dma2 semaphore(%arg27 : memref<!tpu.dma_semaphore, #tpu.memory_space<semaphore_mem>>) src(%arg16 : memref<640xf32, #tpu.memory_space<vmem>>) dst(%dma_wait3A_267 : memref<640xf32, #tpu.memory_space<hbm>>)
    "tpu.region"() ({
      %run_scoped3A = tpu.sem_alloc : memref<!tpu.dma_semaphore, #tpu.memory_space<semaphore_mem>>
      %dma_start3A_305 = arith.constant 0 : i32
      %dma_start3A_306 = arith.constant 0 : i32
      %dma_start3A_307 = tpu.memref_slice %arg22[%dma_start3A_305, %dma_start3A_306] : memref<80x128xf32, #tpu.memory_space<vmem_shared>> -> memref<80x128xf32, #tpu.memory_space<vmem_shared>>
      tpu.enqueue_indirect_dma source(%arg12 : memref<80x128xf32, #tpu.memory_space<vmem>>) target(%dma_start3A_307 : memref<80x128xf32, #tpu.memory_space<vmem_shared>>) offsets(%arg13 : memref<80xi32, #tpu.memory_space<vmem>>) semaphore(%run_scoped3A : memref<!tpu.dma_semaphore, #tpu.memory_space<semaphore_mem>>) {add = true}
      %dma_wait3A_308 = arith.constant 0 : i32
      %dma_wait3A_309 = arith.constant 0 : i32
      %dma_wait3A_310 = tpu.memref_slice %arg22[%dma_wait3A_308, %dma_wait3A_309] : memref<80x128xf32, #tpu.memory_space<vmem_shared>> -> memref<80x128xf32, #tpu.memory_space<vmem_shared>>
      tpu.wait_indirect_dma semaphore(%run_scoped3A : memref<!tpu.dma_semaphore, #tpu.memory_space<semaphore_mem>>) src(%arg12 : memref<80x128xf32, #tpu.memory_space<vmem>>) dst(%dma_wait3A_310 : memref<80x128xf32, #tpu.memory_space<vmem_shared>>)
      tpu.yield
    }) : () -> ()
    %barrier3A_268 = arith.constant 0 : index
    tpu.barrier barrier_id(%barrier3A_268)
    %mul3A_269 = arith.constant 5 : i32
    %mul3A_270 = arith.muli %arg1, %mul3A_269 : i32
    "tpu.region"() ({
      %run_scoped3A = tpu.sem_alloc : memref<!tpu.dma_semaphore, #tpu.memory_space<semaphore_mem>>
      %dma_start3A_305 = arith.constant 0 : i32
      %dma_start3A_306 = tpu.memref_slice %arg22[%mul3A_270, %dma_start3A_305] : memref<80x128xf32, #tpu.memory_space<vmem_shared>> -> memref<5x128xf32, #tpu.memory_space<vmem_shared>>
      %dma_start3A_307 = arith.constant 0 : i32
      %dma_start3A_308 = tpu.memref_slice %arg22[%mul3A_270, %dma_start3A_307] : memref<80x128xf32, #tpu.memory_space<vmem_shared>> -> memref<5x128xf32, #tpu.memory_space<vmem_shared>>
      tpu.enqueue_dma source(%dma_start3A_308 : memref<5x128xf32, #tpu.memory_space<vmem_shared>>) target(%arg15 : memref<5x128xf32, #tpu.memory_space<vmem>>) target_semaphore(%run_scoped3A : memref<!tpu.dma_semaphore, #tpu.memory_space<semaphore_mem>>)
      %dma_wait3A_309 = arith.constant 0 : i32
      %dma_wait3A_310 = tpu.memref_slice %arg22[%mul3A_270, %dma_wait3A_309] : memref<80x128xf32, #tpu.memory_space<vmem_shared>> -> memref<5x128xf32, #tpu.memory_space<vmem_shared>>
      %dma_wait3A_311 = arith.constant 0 : i32
      %dma_wait3A_312 = tpu.memref_slice %arg22[%mul3A_270, %dma_wait3A_311] : memref<80x128xf32, #tpu.memory_space<vmem_shared>> -> memref<5x128xf32, #tpu.memory_space<vmem_shared>>
      tpu.wait_dma2 semaphore(%run_scoped3A : memref<!tpu.dma_semaphore, #tpu.memory_space<semaphore_mem>>) src(%dma_wait3A_312 : memref<5x128xf32, #tpu.memory_space<vmem_shared>>) dst(%arg15 : memref<5x128xf32, #tpu.memory_space<vmem>>)
      tpu.yield
    }) : () -> ()
    %mul3A_271 = arith.constant 5 : i32
    %mul3A_272 = arith.muli %arg1, %mul3A_271 : i32
    "tpu.region"() ({
      %run_scoped3A = tpu.sem_alloc : memref<!tpu.dma_semaphore, #tpu.memory_space<semaphore_mem>>
      %dma_start3A_305 = arith.constant 0 : i32
      %dma_start3A_306 = tpu.memref_slice %arg22[%mul3A_272, %dma_start3A_305] : memref<80x128xf32, #tpu.memory_space<vmem_shared>> -> memref<5x128xf32, #tpu.memory_space<vmem_shared>>
      %dma_start3A_307 = arith.constant 0 : i32
      %dma_start3A_308 = tpu.memref_slice %arg22[%mul3A_272, %dma_start3A_307] : memref<80x128xf32, #tpu.memory_space<vmem_shared>> -> memref<5x128xf32, #tpu.memory_space<vmem_shared>>
      tpu.enqueue_dma source(%arg14 : memref<5x128xf32, #tpu.memory_space<vmem>>) target(%dma_start3A_308 : memref<5x128xf32, #tpu.memory_space<vmem_shared>>) target_semaphore(%run_scoped3A : memref<!tpu.dma_semaphore, #tpu.memory_space<semaphore_mem>>)
      %dma_wait3A_309 = arith.constant 0 : i32
      %dma_wait3A_310 = tpu.memref_slice %arg22[%mul3A_272, %dma_wait3A_309] : memref<80x128xf32, #tpu.memory_space<vmem_shared>> -> memref<5x128xf32, #tpu.memory_space<vmem_shared>>
      %dma_wait3A_311 = arith.constant 0 : i32
      %dma_wait3A_312 = tpu.memref_slice %arg22[%mul3A_272, %dma_wait3A_311] : memref<80x128xf32, #tpu.memory_space<vmem_shared>> -> memref<5x128xf32, #tpu.memory_space<vmem_shared>>
      tpu.wait_dma2 semaphore(%run_scoped3A : memref<!tpu.dma_semaphore, #tpu.memory_space<semaphore_mem>>) src(%arg14 : memref<5x128xf32, #tpu.memory_space<vmem>>) dst(%dma_wait3A_312 : memref<5x128xf32, #tpu.memory_space<vmem_shared>>)
      tpu.yield
    }) : () -> ()
    %get3A_273 = arith.constant 96 : index
    %get3A_274 = tpu.vector_load %arg19[%get3A_273] {strides = array<i32>} : memref<144xf32, #tpu.memory_space<vmem>>, vector<16xf32>,
    %get3A_275 = arith.constant 112 : index
    %get3A_276 = tpu.vector_load %arg19[%get3A_275] {strides = array<i32>} : memref<144xf32, #tpu.memory_space<vmem>>, vector<16xf32>,
    %get3A_277 = arith.constant 128 : index
    %get3A_278 = tpu.vector_load %arg19[%get3A_277] {strides = array<i32>} : memref<144xf32, #tpu.memory_space<vmem>>, vector<16xf32>,
    %parallel_loop3A_279 = arith.constant 0 : i32
    %parallel_loop3A_280 = arith.constant 40 : i32
    %parallel_loop3A_281 = arith.constant 1 : i32
    %parallel_loop3A_282 = scf.for %parallel_loop3A_305 = %parallel_loop3A_279 to %parallel_loop3A_280 step %parallel_loop3A_281 iter_args(%parallel_loop3A_306 = %broadcast_in_dim3A_0) -> (vector<16xf32>)  : i32 {
      %parallel_loop3A_307 = arith.constant 3 : i32
      %parallel_loop3A_308 = arith.shrui %parallel_loop3A_305, %parallel_loop3A_307 : i32
      %parallel_loop3A_309 = arith.constant 7 : i32
      %parallel_loop3A_310 = arith.andi %parallel_loop3A_305, %parallel_loop3A_309 : i32
      %parallel_loop3A_311 = arith.constant 16 : i32
      %parallel_loop3A_312 = arith.muli %parallel_loop3A_310, %parallel_loop3A_311 : i32
      %parallel_loop3A_313 = arith.index_cast %parallel_loop3A_308 : i32 to index
      %parallel_loop3A_314 = arith.index_cast %parallel_loop3A_312 : i32 to index
      %parallel_loop3A_315 = tpu.vector_load %arg15[%parallel_loop3A_313, %parallel_loop3A_314] {strides = array<i32>} : memref<5x128xf32, #tpu.memory_space<vmem>>, vector<16xf32>,
      %parallel_loop3A_316 = arith.mulf %get3A_274, %parallel_loop3A_315 : vector<16xf32>
      %parallel_loop3A_317 = arith.addf %parallel_loop3A_316, %get3A_276 : vector<16xf32>
      %parallel_loop3A_318 = arith.constant 640 : i32
      %parallel_loop3A_319 = arith.muli %arg1, %parallel_loop3A_318 : i32
      %parallel_loop3A_320 = arith.constant 16 : i32
      %parallel_loop3A_321 = arith.muli %parallel_loop3A_305, %parallel_loop3A_320 : i32
      %parallel_loop3A_322 = arith.addi %parallel_loop3A_319, %parallel_loop3A_321 : i32
      %parallel_loop3A_323 = arith.index_cast %parallel_loop3A_322 : i32 to index
      %parallel_loop3A_324 = tpu.vector_load %arg11[%parallel_loop3A_323] {strides = array<i32>} : memref<10240xf32, #tpu.memory_space<vmem>>, vector<16xf32>,
      %parallel_loop3A_325 = arith.mulf %get3A_278, %parallel_loop3A_324 : vector<16xf32>
      %parallel_loop3A_326 = arith.addf %parallel_loop3A_317, %parallel_loop3A_325 : vector<16xf32>
      %parallel_loop3A_327 = arith.constant 0.000000e+00 : f32
      %parallel_loop3A_328 = vector.broadcast %parallel_loop3A_327 : f32 to vector<16xf32>
      %parallel_loop3A_329 = arith.maximumf %parallel_loop3A_326, %parallel_loop3A_328 : vector<16xf32>
      %parallel_loop3A_330 = tpu.iota {dimensions = array<i32: 0>} : vector<16xi32>
      %parallel_loop3A_331 = arith.constant 640 : i32
      %parallel_loop3A_332 = arith.muli %arg1, %parallel_loop3A_331 : i32
      %parallel_loop3A_333 = vector.broadcast %parallel_loop3A_332 : i32 to vector<16xi32>
      %parallel_loop3A_334 = arith.addi %parallel_loop3A_330, %parallel_loop3A_333 : vector<16xi32>
      %parallel_loop3A_335 = arith.constant 16 : i32
      %parallel_loop3A_336 = arith.muli %parallel_loop3A_305, %parallel_loop3A_335 : i32
      %parallel_loop3A_337 = vector.broadcast %parallel_loop3A_336 : i32 to vector<16xi32>
      %parallel_loop3A_338 = arith.addi %parallel_loop3A_334, %parallel_loop3A_337 : vector<16xi32>
      %parallel_loop3A_339 = arith.constant 10000 : i32
      %parallel_loop3A_340 = vector.broadcast %parallel_loop3A_339 : i32 to vector<16xi32>
      %parallel_loop3A_341 = arith.cmpi slt, %parallel_loop3A_338, %parallel_loop3A_340 : vector<16xi32>
      %parallel_loop3A_342 = arith.constant 0.000000e+00 : f32
      %parallel_loop3A_343 = vector.broadcast %parallel_loop3A_342 : f32 to vector<16xf32>
      %parallel_loop3A_344 = arith.select %parallel_loop3A_341, %parallel_loop3A_329, %parallel_loop3A_343 : vector<16xi1>, vector<16xf32>
      %parallel_loop3A_345 = arith.constant 16 : i32
      %parallel_loop3A_346 = arith.muli %parallel_loop3A_305, %parallel_loop3A_345 : i32
      %parallel_loop3A_347 = arith.index_cast %parallel_loop3A_346 : i32 to index
      %parallel_loop3A_348 = tpu.vector_load %arg16[%parallel_loop3A_347] {strides = array<i32>} : memref<640xf32, #tpu.memory_space<vmem>>, vector<16xf32>,
      tpu.vector_store %arg16[%parallel_loop3A_347], %parallel_loop3A_344 {strides = array<i32>} : memref<640xf32, #tpu.memory_space<vmem>>, vector<16xf32>,
      %parallel_loop3A_349 = arith.addf %parallel_loop3A_306, %parallel_loop3A_344 : vector<16xf32>
      scf.yield %parallel_loop3A_349 : vector<16xf32>
    } {sc.loop_unroll_factor = 4 : i64, sc.parallel_access}
    %mul3A_283 = arith.constant 640 : i32
    %mul3A_284 = arith.muli %arg1, %mul3A_283 : i32
    %dma_start3A_285 = tpu.memref_slice %arg7[%mul3A_284] : memref<10240xf32, #tpu.memory_space<hbm>> -> memref<640xf32, #tpu.memory_space<hbm>>
    %dma_start3A_286 = tpu.memref_slice %arg7[%mul3A_284] : memref<10240xf32, #tpu.memory_space<hbm>> -> memref<640xf32, #tpu.memory_space<hbm>>
    tpu.enqueue_dma source(%arg16 : memref<640xf32, #tpu.memory_space<vmem>>) target(%dma_start3A_286 : memref<640xf32, #tpu.memory_space<hbm>>) target_semaphore(%arg27 : memref<!tpu.dma_semaphore, #tpu.memory_space<semaphore_mem>>)
    %scan3A_287 = arith.constant 0 : i32
    %scan3A_288 = arith.constant 1 : i32
    %scan3A_289 = arith.constant 7 : i32
    %scan3A_290 = arith.addi %scan3A_288, %scan3A_289 : i32
    %scan3A_291 = arith.constant 1 : i32
    %scan3A_292 = scf.for %scan3A_305 = %scan3A_288 to %scan3A_290 step %scan3A_291 iter_args(%scan3A_306 = %scan3A_287) -> (i32)  : i32 {
      %mul3A_307 = arith.constant 16 : i32
      %mul3A_308 = arith.muli %scan3A_305, %mul3A_307 : i32
      %swap3A_309 = arith.index_cast %mul3A_308 : i32 to index
      %swap3A_310 = tpu.vector_load %arg20[%swap3A_309] {strides = array<i32>} : memref<128xf32, #tpu.memory_space<vmem>>, vector<16xf32>,
      tpu.vector_store %arg20[%swap3A_309], %broadcast_in_dim3A_0 {strides = array<i32>} : memref<128xf32, #tpu.memory_space<vmem>>, vector<16xf32>,
      %scan3A_311 = arith.constant 0 : i32
      scf.yield %scan3A_311 : i32
    }
    %scan3A_293 = arith.constant 7 : i32
    %swap3A_294 = arith.constant 0 : index
    %swap3A_295 = tpu.vector_load %arg20[%swap3A_294] {strides = array<i32>} : memref<128xf32, #tpu.memory_space<vmem>>, vector<16xf32>,
    tpu.vector_store %arg20[%swap3A_294], %parallel_loop3A_282 {strides = array<i32>} : memref<128xf32, #tpu.memory_space<vmem>>, vector<16xf32>,
    %mul3A_296 = arith.constant 128 : i32
    %mul3A_297 = arith.muli %arg1, %mul3A_296 : i32
    "tpu.region"() ({
      %run_scoped3A = tpu.sem_alloc : memref<!tpu.dma_semaphore, #tpu.memory_space<semaphore_mem>>
      %dma_start3A_305 = tpu.memref_slice %arg24[%mul3A_297] : memref<2048xf32, #tpu.memory_space<vmem_shared>> -> memref<128xf32, #tpu.memory_space<vmem_shared>>
      %dma_start3A_306 = tpu.memref_slice %arg24[%mul3A_297] : memref<2048xf32, #tpu.memory_space<vmem_shared>> -> memref<128xf32, #tpu.memory_space<vmem_shared>>
      tpu.enqueue_dma source(%arg20 : memref<128xf32, #tpu.memory_space<vmem>>) target(%dma_start3A_306 : memref<128xf32, #tpu.memory_space<vmem_shared>>) target_semaphore(%run_scoped3A : memref<!tpu.dma_semaphore, #tpu.memory_space<semaphore_mem>>)
      %dma_wait3A_307 = tpu.memref_slice %arg24[%mul3A_297] : memref<2048xf32, #tpu.memory_space<vmem_shared>> -> memref<128xf32, #tpu.memory_space<vmem_shared>>
      %dma_wait3A_308 = tpu.memref_slice %arg24[%mul3A_297] : memref<2048xf32, #tpu.memory_space<vmem_shared>> -> memref<128xf32, #tpu.memory_space<vmem_shared>>
      tpu.wait_dma2 semaphore(%run_scoped3A : memref<!tpu.dma_semaphore, #tpu.memory_space<semaphore_mem>>) src(%arg20 : memref<128xf32, #tpu.memory_space<vmem>>) dst(%dma_wait3A_308 : memref<128xf32, #tpu.memory_space<vmem_shared>>)
      tpu.yield
    }) : () -> ()
    %barrier3A_298 = arith.constant 0 : index
    tpu.barrier barrier_id(%barrier3A_298)
    %eq3A = arith.constant 0 : i32
    %eq3A_299 = arith.cmpi eq, %arg1, %eq3A : i32
    %convert_element_type3A = arith.extui %eq3A_299 : i1 to i32
    %cond3A = arith.constant 0 : i32
    %cond3A_300 = arith.cmpi ne, %convert_element_type3A, %cond3A : i32
    scf.if %cond3A_300 {
      "tpu.region"() ({
        %run_scoped3A = tpu.sem_alloc : memref<!tpu.dma_semaphore, #tpu.memory_space<semaphore_mem>>
        tpu.enqueue_dma source(%arg24 : memref<2048xf32, #tpu.memory_space<vmem_shared>>) target(%arg21 : memref<2048xf32, #tpu.memory_space<vmem>>) target_semaphore(%run_scoped3A : memref<!tpu.dma_semaphore, #tpu.memory_space<semaphore_mem>>)
        tpu.wait_dma2 semaphore(%run_scoped3A : memref<!tpu.dma_semaphore, #tpu.memory_space<semaphore_mem>>) src(%arg24 : memref<2048xf32, #tpu.memory_space<vmem_shared>>) dst(%arg21 : memref<2048xf32, #tpu.memory_space<vmem>>)
        tpu.yield
      }) : () -> ()
      %scan3A_305 = arith.constant 0 : i32
      %scan3A_306 = arith.constant 16 : i32
      %scan3A_307 = arith.addi %scan3A_305, %scan3A_306 : i32
      %scan3A_308 = arith.constant 1 : i32
      %scan3A_309 = scf.for %scan3A_317 = %scan3A_305 to %scan3A_307 step %scan3A_308 iter_args(%scan3A_318 = %broadcast_in_dim3A_0) -> (vector<16xf32>)  : i32 {
        %mul3A_319 = arith.constant 128 : i32
        %mul3A_320 = arith.muli %scan3A_317, %mul3A_319 : i32
        %get3A_321 = arith.index_cast %mul3A_320 : i32 to index
        %get3A_322 = tpu.vector_load %arg21[%get3A_321] {strides = array<i32>} : memref<2048xf32, #tpu.memory_space<vmem>>, vector<16xf32>,
        %add3A_323 = arith.addf %scan3A_318, %get3A_322 : vector<16xf32>
        scf.yield %add3A_323 : vector<16xf32>
      }
      %scan3A_310 = arith.constant 16 : i32
      %reduce_sum3A = arith.constant true
      %reduce_sum3A_311 = vector.broadcast %reduce_sum3A : i1 to vector<16xi1>
      %reduce_sum3A_312 = tpu.scan <sum>, %scan3A_309 masked %reduce_sum3A_311 : vector<16xf32>, vector<16xi1> -> vector<16xf32>
      %reduce_sum3A_313 = vector.extract %reduce_sum3A_312[15] : f32 from vector<16xf32>
      %broadcast_in_dim3A_314 = vector.broadcast %reduce_sum3A_313 : f32 to vector<16xf32>
      %swap3A_315 = arith.constant 0 : index
      %swap3A_316 = tpu.vector_load %arg20[%swap3A_315] {strides = array<i32>} : memref<128xf32, #tpu.memory_space<vmem>>, vector<16xf32>,
      tpu.vector_store %arg20[%swap3A_315], %broadcast_in_dim3A_314 {strides = array<i32>} : memref<128xf32, #tpu.memory_space<vmem>>, vector<16xf32>,
      "tpu.region"() ({
        %run_scoped3A = tpu.sem_alloc : memref<!tpu.dma_semaphore, #tpu.memory_space<semaphore_mem>>
        tpu.enqueue_dma source(%arg20 : memref<128xf32, #tpu.memory_space<vmem>>) target(%arg8 : memref<128xf32, #tpu.memory_space<hbm>>) target_semaphore(%run_scoped3A : memref<!tpu.dma_semaphore, #tpu.memory_space<semaphore_mem>>)
        tpu.wait_dma2 semaphore(%run_scoped3A : memref<!tpu.dma_semaphore, #tpu.memory_space<semaphore_mem>>) src(%arg20 : memref<128xf32, #tpu.memory_space<vmem>>) dst(%arg8 : memref<128xf32, #tpu.memory_space<hbm>>)
        tpu.yield
      }) : () -> ()
    } else {
    }
    %dma_wait3A_301 = tpu.memref_slice %arg6[%mul3A_257] : memref<10240xf32, #tpu.memory_space<hbm>> -> memref<640xf32, #tpu.memory_space<hbm>>
    %dma_wait3A_302 = tpu.memref_slice %arg6[%mul3A_257] : memref<10240xf32, #tpu.memory_space<hbm>> -> memref<640xf32, #tpu.memory_space<hbm>>
    tpu.wait_dma2 semaphore(%arg28 : memref<!tpu.dma_semaphore, #tpu.memory_space<semaphore_mem>>) src(%arg17 : memref<640xf32, #tpu.memory_space<vmem>>) dst(%dma_wait3A_302 : memref<640xf32, #tpu.memory_space<hbm>>)
    %dma_wait3A_303 = tpu.memref_slice %arg7[%mul3A_284] : memref<10240xf32, #tpu.memory_space<hbm>> -> memref<640xf32, #tpu.memory_space<hbm>>
    %dma_wait3A_304 = tpu.memref_slice %arg7[%mul3A_284] : memref<10240xf32, #tpu.memory_space<hbm>> -> memref<640xf32, #tpu.memory_space<hbm>>
    tpu.wait_dma2 semaphore(%arg27 : memref<!tpu.dma_semaphore, #tpu.memory_space<semaphore_mem>>) src(%arg16 : memref<640xf32, #tpu.memory_space<vmem>>) dst(%dma_wait3A_304 : memref<640xf32, #tpu.memory_space<hbm>>)
    return
  }
}

module attributes {stable_mosaic.version = 14 : i64} {
  func.func @_mm_body(%arg0: memref<10000x128xf32, #tpu.memory_space<vmem>>, %arg1: memref<128x8xf32, #tpu.memory_space<vmem>>, %arg2: memref<8x10240xf32, #tpu.memory_space<vmem>>) attributes {dimension_semantics = [], scalar_prefetch = 0 : i64, scratch_operands = 0 : i64, tpu.core_type = #tpu.core_type<tc>} {
    %broadcast_in_dim3A = arith.constant 0.000000e+00 : f32
    %broadcast_in_dim3A_0 = vector.broadcast %broadcast_in_dim3A : f32 to vector<8x10240xf32>
    %swap3A = arith.constant 0 : index
    %swap3A_1 = arith.constant 0 : index
    %swap3A_2 = vector.load %arg2[%swap3A, %swap3A_1] : memref<8x10240xf32, #tpu.memory_space<vmem>>, vector<8x10240xf32>
    tpu.vector_store %arg2[%swap3A, %swap3A_1], %broadcast_in_dim3A_0 {strides = array<i32>} : memref<8x10240xf32, #tpu.memory_space<vmem>>, vector<8x10240xf32>,
    %get3A = arith.constant 0 : index
    %get3A_3 = arith.constant 0 : index
    %get3A_4 = vector.load %arg1[%get3A, %get3A_3] : memref<128x8xf32, #tpu.memory_space<vmem>>, vector<128x8xf32>
    %get3A_5 = arith.constant 0 : index
    %get3A_6 = arith.constant 0 : index
    %get3A_7 = vector.load %arg0[%get3A_5, %get3A_6] : memref<10000x128xf32, #tpu.memory_space<vmem>>, vector<10000x128xf32>
    %dot_general3A = arith.constant dense<0.000000e+00> : vector<8x10000xf32>
    %dot_general3A_8 = tpu.matmul %get3A_4, %get3A_7, %dot_general3A {dimension_numbers = #tpu.dot_dimension_numbers<[0], [1], [1], [0], [0, 1, 1, 0], [], []>, transpose_lhs_hint = false} : vector<128x8xf32>, vector<10000x128xf32>, vector<8x10000xf32> -> vector<8x10000xf32>
    %swap3A_9 = arith.constant 0 : index
    %swap3A_10 = arith.constant 0 : index
    %swap3A_11 = vector.load %arg2[%swap3A_9, %swap3A_10] : memref<8x10240xf32, #tpu.memory_space<vmem>>, vector<8x10000xf32>
    tpu.vector_store %arg2[%swap3A_9, %swap3A_10], %dot_general3A_8 {strides = array<i32>} : memref<8x10240xf32, #tpu.memory_space<vmem>>, vector<8x10000xf32>,
    return
  }
}

</mosaic_0001>

<sc_bundles>
// kernel: kernel.4.cloned.1.call-start
scs
__scs_entry_jumppad:
0x0: {  	(pc) =	sbr.rel $0x88, $3  }
0x1: {  	(tag) =	ssettag $0x0;
	lr =	simm.s32 $0x1  }
0x2: {  	[smem:$0x3F96] =	sst lr;
	_ =	strace $0xD0000000  }
0x3: {  	_ = 	snop  }
0x4: {  	_ = 	snop  }
0x5: {  	_ = 	snop  }
0x6: {  	_ = 	snop  }
0x7: {  	_ = 	snop  }
__scs_overlays_trampoline_lowered:
0x8: {  	[smem:$0x3FA5] =	sst s0  }
0x9: {  	[smem:$0x3FA6] =	sst s1  }
0xa: {  	[smem:$0x3FA7] =	sst s2  }
0xb: {  	[smem:$0x3FA8] =	sst s3  }
0xc: {  	[smem:$0x3FA9] =	sst s4  }
0xd: {  	[smem:$0x3FAA] =	sst s5  }
0xe: {  	[smem:$0x3FAB] =	sst s6  }
0xf: {  	[smem:$0x3FAC] =	sst s7  }
0x10: {  	[smem:$0x3FAD] =	sst s8  }
0x11: {  	[smem:$0x3FAE] =	sst s9;
	s0 =	simm.s32 @!p0 $0x0  }
0x12: {  	s1 =	sld [smem:$0x3F94];
	s0 =	simm.s32 @p0 $0x1  }
0x13: {  	[smem:$0x3FAF] =	sst s0;
	s0 =	simm.s32 @!p1 $0x0  }
0x14: {  	s2 =	sld [smem:$0x3F93];
	s0 =	simm.s32 @p1 $0x1  }
0x15: {  	[smem:$0x3FB0] =	sst s0;
	s0 =	simm.s32 @!p2 $0x0  }
0x16: {  	s3 =	sld [smem:$0x3FDB];
	s0 =	simm.s32 @p2 $0x1  }
0x17: {  	s4 =	simm.s32 $0x1BF5;
	[smem:$0x3FB2] =	sst s0  }
0x18: {  	s0 =	sld [smem:$0x3F95];
	_ =	swait.ge [sflag:s4], $0x0  }
0x19: {  	s7 =	sld [smem:$0x3F96]  }
0x1a: {  	s8 =	sadd.s32 $0xFFFFE003, lr  }
0x1b: {  	s9 =	sadd.s32 $0xFFFFFEF7, lr;
	s5 =	simm.s32 $0xFFFFFFFF;
	p2 =	slt.u32 s8, $0xFFFFF086  }
0x1c: {  	p1 =	slt.u32 s9, $0xF7A;
	s5 =	simm.s32 @!p2 $0x0  }
0x1d: {  	s5 =	simm.s32 @p1 $0x1;
	p0 =	seq.s32 s7, s2  }
0x1e: {  	s7 =	smul.u32 @!p0 $0xF7A, s2;
	p2 =	seq.s32 @!p0 s5, $0x0  }
0x1f: {  	s9 =	smul.u32 $0xF7A, s1;
	s8 =	simm.s32 @!p0 $0x1BF5;
	p2 =	por !p2, p0  }
0x20: {  	[sflag:s8] =	ssyncset.s32 @!p0 $0xFFFFF086;
	s6 =	sadd.s32 @!p0 s3, s7;
	s7 =	simm.s32 @!p0 $0x108  }
0x21: {  	s3 =	sadd.s32 s3, s9;
	s6 =	sadd.s32 @!p0 $0x88, s6;
	s7 =	simm.s32 @p2 $0x1082  }
0x22: {  	[simem:s7], [sflag:s8] =	dma.local @!p0 [hbm:s6], $0xF7A  }
0x23: {  	s9 =	sor.u32 $0xD0000000, s2;
	s6 =	simm.s32 $0x108;
	_ =	swait.ge @!p0 [sflag:s8], $0x0  }
0x24: {  	s3 =	sadd.s32 $0x88, s3;
	s6 =	simm.s32 @!p1 $0x1082;
	[sflag:s4] =	ssyncset.s32 $0xFFFFF086  }
0x25: {  	[simem:s6], [sflag:s4] =	dma.local [hbm:s3], $0xF7A  }
0x26: {  	[smem:$0x3F96] =	sst s1;
	(tag) =	ssettag s2;
	_ =	strace s9  }
0x27: {  	s1 =	sld [smem:$0x3FA6]  }
0x28: {  	s2 =	sld [smem:$0x3FA7]  }
0x29: {  	s4 =	sld [smem:$0x3FA9]  }
0x2a: {  	p0 =	seq.s32 s5, $0x0;
	s5 =	sld [smem:$0x3FAA]  }
0x2b: {  	s6 =	sld [smem:$0x3FAB]  }
0x2c: {  	s7 =	sld [smem:$0x3FAC]  }
0x2d: {  	s3 =	simm.s32 $0x108;
	s8 =	sld [smem:$0x3FAD]  }
0x2e: {  	s3 =	simm.s32 @!p0 $0x1082;
	s9 =	sld [smem:$0x3FAE]  }
0x2f: {  	lr =	sadd.s32 s0, s3;
	s0 =	sld [smem:$0x3FA5]  }
0x30: {  	s3 =	sld [smem:$0x3FA8]  }
0x31: {  	[smem:$0x3FB1] =	sst s10  }
0x32: {  	s10 =	sld [smem:$0x3FAF];
	_ =	sdelay $0x3  }
0x33: {  	p0 =	seq.s32 s10, $0x1;
	s10 =	sld [smem:$0x3FB1];
	_ =	sdelay $0x3  }
0x34: {  	[smem:$0x3FB1] =	sst s10  }
0x35: {  	s10 =	sld [smem:$0x3FB0];
	_ =	sdelay $0x3  }
0x36: {  	p1 =	seq.s32 s10, $0x1;
	s10 =	sld [smem:$0x3FB1];
	_ =	sdelay $0x3  }
0x37: {  	[smem:$0x3FB1] =	sst s10  }
0x38: {  	s10 =	sld [smem:$0x3FB2]  }
0x39: {  	_ = 	snop;
	(pc) =	sbr.ind lr, $3  }
0x3a: {  	_ = 	snop  }
0x3b: {  	_ = 	snop  }
0x3c: {  	p2 =	seq.s32 s10, $0x1;
	s10 =	sld [smem:$0x3FB1]  }
0x3d: {  	_ =	shalt  }
0x3e: {  	_ =	shalt  }
0x3f: {  	_ =	shalt  }
0x40: {  	_ =	shalt  }
0x41: {  	_ =	shalt  }
0x42: {  	_ =	shalt  }
0x43: {  	_ =	shalt  }
0x44: {  	_ =	shalt  }
0x45: {  	_ =	shalt  }
0x46: {  	_ =	shalt  }
0x47: {  	_ =	shalt  }
0x48: {  	_ =	shalt  }
0x49: {  	_ =	shalt  }
0x4a: {  	_ =	shalt  }
0x4b: {  	_ =	shalt  }
0x4c: {  	_ =	shalt  }
0x4d: {  	_ =	shalt  }
0x4e: {  	_ =	shalt  }
0x4f: {  	_ =	shalt  }
0x50: {  	_ =	shalt  }
0x51: {  	_ =	shalt  }
0x52: {  	_ =	shalt  }
0x53: {  	_ =	shalt  }
0x54: {  	_ =	shalt  }
0x55: {  	_ =	shalt  }
0x56: {  	_ =	shalt  }
0x57: {  	_ =	shalt  }
0x58: {  	_ =	shalt  }
0x59: {  	_ =	shalt  }
0x5a: {  	_ =	shalt  }
0x5b: {  	_ =	shalt  }
0x5c: {  	_ =	shalt  }
0x5d: {  	_ =	shalt  }
0x5e: {  	_ =	shalt  }
0x5f: {  	_ =	shalt  }
0x60: {  	_ =	shalt  }
0x61: {  	_ =	shalt  }
0x62: {  	_ =	shalt  }
0x63: {  	_ =	shalt  }
0x64: {  	_ =	shalt  }
0x65: {  	_ =	shalt  }
0x66: {  	_ =	shalt  }
0x67: {  	_ =	shalt  }
0x68: {  	_ =	shalt  }
0x69: {  	_ =	shalt  }
0x6a: {  	_ =	shalt  }
0x6b: {  	_ =	shalt  }
0x6c: {  	_ =	shalt  }
0x6d: {  	_ =	shalt  }
0x6e: {  	_ =	shalt  }
0x6f: {  	_ =	shalt  }
0x70: {  	_ =	shalt  }
0x71: {  	_ =	shalt  }
0x72: {  	_ =	shalt  }
0x73: {  	_ =	shalt  }
0x74: {  	_ =	shalt  }
0x75: {  	_ =	shalt  }
0x76: {  	_ =	shalt  }
0x77: {  	_ =	shalt  }
0x78: {  	_ =	shalt  }
0x79: {  	_ =	shalt  }
0x7a: {  	_ =	shalt  }
0x7b: {  	_ =	shalt  }
0x7c: {  	_ =	shalt  }
0x7d: {  	_ =	shalt  }
0x7e: {  	_ =	shalt  }
0x7f: {  	_ =	shalt  }
0x80: {  	_ =	shalt  }
0x81: {  	_ =	shalt  }
0x82: {  	_ =	shalt  }
0x83: {  	_ =	shalt  }
0x84: {  	_ =	shalt  }
0x85: {  	_ =	shalt  }
0x86: {  	_ =	shalt  }
0x87: {  	_ =	shalt  }
.Lfunc_end0:
.L_simem_size_0:
called_computation_lowered:
.L_overlay_start_0:
0x88: {  	s0 =	sld [smem:$0x3FD9]  }
0x89: {  	s1 =	sld [smem:$0x3FFE];
	_ =	sdelay $0x3  }
0x8a: {  	s0 =	sadd.s32 s1, s0  }
0x8b: {  	[smem:$0x3FBD] =	sst s0  }
0x8c: {  	_ = 	snop  }
0x8d: {  	s0 =	sld [smem:$0x3FD0];
	_ =	sdelay $0x2  }
0x8e: {  	s13 =	simm.s32 $0xA;
	s2 =	simm.s32 $0x10  }
0x8f: {  	[smem:s2], [sflag:s13] =	dma.local [hbm:s0], $0x1  }
0x90: {  	_ =	swait.eq [sflag:s13], $0x1  }
0x91: {  	s14 =	sld [smem:$0x10];
	[sflag:s13] =	ssyncset.done $0x0  }
0x92: {  	s15 =	sld [smem:$0x11];
	[sflag:s13] =	ssyncadd.s32 $0xFFFFFFFF  }
0x93: {  	s16 =	sld [smem:$0x14];
	(tm) =	ssettm $0x1  }
0x94: {  	s3 =	sld [smem:$0x3FFB];
	_ =	sdelay $0x3  }
0x95: {  	_ =	strace s3  }
0x96: {  	s3 =	sld [smem:$0x3FFC];
	_ =	sdelay $0x3  }
0x97: {  	_ =	strace s3  }
0x98: {  	s3 =	sld [smem:$0x3FFD];
	_ =	sdelay $0x3  }
0x99: {  	_ =	strace s3  }
0x9a: {  	_ =	strace $0x8FFFFFFF  }
0x9b: {  	s17 =	sld [smem:$0x3FDB];
	_ =	sdelay $0x1  }
0x9c: {  	s4 =	simm.s32 $_scs_section_size  }
0x9d: {  	s5 =	simm.s32 $_size__tile_overlayer_lowered;
	s6 =	simm.s32 $_tile_overlayer_lowered  }
0x9e: {  	s20 =	simm.s32 $0x1BFF;
	s19 =	sshll.u32 s6, $0x1;
	s3 =	sadd.s32 s4, s17  }
0x9f: {  	s7 =	simm.s32 $0x0;
	s18 =	sshll.u32 s5, $0x1;
	s5 =	sadd.s32 s19, s3  }
0xa0: {  	[timem:s7], [sflag:s20] =	dma.local [hbm:s5], s18  }
0xa1: {  	_ =	swait.ge [sflag:s20], s18  }
0xa2: {  	s4 =	ssub.s32 $0x0, s18;
	[sflag:s20] =	ssyncset.done $0x0  }
0xa3: {  	[sflag:s20] =	ssyncadd.s32 s4;
	_ =	sdelay $0x1  }
0xa4: {  	s21 =	simm.s32 $0x1B8B  }
0xa5: {  	_ =	swait.ge [sflag:s21], $0x1  }
0xa6: {  	[sflag:s21] =	ssyncset.done $0x0  }
0xa7: {  	s23 =	simm.s32 $0x1B8E;
	s22 =	sld [smem:$0x3FFE];
	[sflag:s21] =	ssyncadd.s32 $0xFFFFFFFF  }
0xa8: {  	s24 =	simm.s32 $execute0_lowered;
	[smem:$0x3FD2] =	sst s23  }
0xa9: {  	s5 =	sshll.u32 s24, $0x1;
	_ =	strace $0x80000046;
	[dreg:$0x1] =	wrdreg $0xFFFFFFFF  }
0xaa: {  	s25 =	simm.s32 $_size_execute0_lowered;
	s3 =	sadd.s32 s3, s5;
	[dreg:$0x0] =	wrdreg $0x0  }
0xab: {  	s5 =	sshll.u32 s25, $0x1;
	[dreg:$0x2] =	wrdreg s3  }
0xac: {  	[dreg:$0x3] =	wrdreg s5  }
0xad: {  	[dreg:$0x4] =	wrdreg $0xC0  }
0xae: {  	_ =	task [dreg:s7], $0x5FFFF  }
0xaf: {  	[dreg:$0x1] =	wrdreg $0xFFFFFFFF  }
0xb0: {  	[dreg:$0x0] =	wrdreg $0x60  }
0xb1: {  	[dreg:$0x2] =	wrdreg s15  }
0xb2: {  	[dreg:$0x3] =	wrdreg s22  }
0xb3: {  	[dreg:$0x4] =	wrdreg s16  }
0xb4: {  	[dreg:$0x5] =	wrdreg s14  }
0xb5: {  	[dreg:$0x6] =	wrdreg $0x106800  }
0xb6: {  	[dreg:$0x7] =	wrdreg $0x109000  }
0xb7: {  	[dreg:$0x8] =	wrdreg $0x10B800  }
0xb8: {  	[dreg:$0x9] =	wrdreg $0x9  }
0xb9: {  	_ =	task.clear_ibuf [dreg:s7], $0xAFFFF;
	_ =	strace $0x90000046  }
0xba: {  	s26 =	simm.s32 $0x9;
	_ =	strace $0x80000048  }
0xbb: {  	_ =	swait.ge [sflag:s26], $0x1  }
0xbc: {  	[sflag:s26] =	ssyncadd.s32 $0xFFFFFFFF  }
0xbd: {  	_ =	strace $0x90000048  }
0xbe: {  	_ =	sfence  }
0xbf: {  	s28 =	sld [smem:$0x0];
	_ =	sdelay $0x1  }
0xc0: {  	s29 =	srdreg.scid  }
0xc1: {  	s30 =	sshll.u32 s29, $0xD;
	s31 =	sshrl.u32 s29, $0x2  }
0xc2: {  	s1 =	sand.u32 $0x1, s29;
	s2 =	sand.u32 $0x4000, s30;
	s0 =	sadd.s32 s31, s28  }
0xc3: {  	s1 =	sor.u32 s2, s1;
	s0 =	sshll.u32 s0, $0x11  }
0xc4: {  	s0 =	sor.u32 s0, s1  }
0xc5: {  	s0 =	sadd.s32 $0x8F2B, s0  }
0xc6: {  	[sflag:s0] =	ssyncadd.remote.s32 $0x1  }
0xc7: {  	_ =	sfence.sel $0xFFFF  }
0xc8: {  	[dreg:$0x0] =	wrdreg $0xFFFFFFFF;
	(pc) =	sbr.abs _section_cstart, $3  }
0xc9: {  	[dreg:$0x1] =	wrdreg $0xFFFFFFFF  }
0xca: {  	_ =	task.clear_ibuf [dreg:s7], $0x2FFFF;
	_ =	strace $0x9FFFFFFF  }
0xcb: {  	(tm) =	ssettm $0x7FFFFFFF  }
tec
execute0_lowered:
.L_overlay_start_1:
0x0: {  	(tag) =	ssettag $0x1  }
0x1: {  	s4 =	rddreg [dreg:$0x0]  }
0x2: {  	s6 =	rddreg [dreg:$0x1]  }
0x3: {  	s8 =	rddreg [dreg:$0x2]  }
0x4: {  	s1 =	rddreg [dreg:$0x3]  }
0x5: {  	s7 =	rddreg [dreg:$0x4]  }
0x6: {  	s9 =	rddreg [dreg:$0x5];
	s3 =	stileid.u32  }
0x7: {  	s2 =	rddreg [dreg:$0x6];
	s5 =	smul.u32 $0x4E20, s3  }
0x8: {  	s0 =	rddreg [dreg:$0x7];
	s10 =	simm.s32 $0x0  }
0x9: {  	s13 =	simm.s32 $0x4E80;
	[smem:$0x7FF] =	sst s10;
	s5 =	sshrl.u32 s5, $0x3  }
0xa: {  	_ =	strace $0x80000047;
	s4 =	sadd.s32 s4, s5;
	s5 =	smul.u32 $0x280, s3  }
0xb: {  	[tilespmem:s10], [sflag:$0x1] =	stream.linear.gather [hbm4b:s4+s10], $0x4E20, $0x38;
	[tilespmem:$0x10C00] =	vst v63  }
0xc: {  	s11 =	sadd.s32 $0x1200, s6;
	s12 =	sadd.s32 $0x9C40, s4;
	s4 =	sshrl.u32 s5, $0x3  }
0xd: {  	[tilespmem:s13], [sflag:$0x1] =	stream.linear.gather [hbm4b:s12+s10], $0x4E20, $0x38;
	[tilespmem:$0x10C00] =	vst v63  }
0xe: {  	s24 =	simm.s32 $0x9D00;
	s23 =	sadd.s32 s11, s4  }
0xf: {  	[tilespmem:s24], [sflag:$0x1] =	stream.linear.gather [hbm4b:s11+s10], $0x2800, $0x38;
	[tilespmem:$0x10C00] =	vst v63  }
0x10: {  	s26 =	simm.s32 $0xFA80;
	s25 =	sadd.s32 $0x500, s23  }
0x11: {  	[tilespmem:s26], [sflag:$0x1] =	stream.linear.gather [hbm4b:s25+s10], $0x280, $0x38;
	[tilespmem:$0x10C00] =	vst v63  }
0x12: {  	s28 =	simm.s32 $0xFD00  }
0x13: {  	v0 =	vlaneseq.u32;
	[tilespmem:s28], [sflag:$0x1] =	stream.linear.gather [hbm4b:s8+s10], $0x100, $0x38;
	[tilespmem:$0x10C00] =	vst v63  }
0x14: {  	v1 =	vor.u32 $0x10, v0;
	[tilespmem:$0xED00] =	vst v0  }
0x15: {  	[tilespmem:$0xED10] =	vst v1;
	v1 =	vor.u32 $0x20, v0  }
0x16: {  	[tilespmem:$0xED20] =	vst v1;
	v1 =	vor.u32 $0x30, v0  }
0x17: {  	v0 =	vor.u32 $0x40, v0;
	[tilespmem:$0xED30] =	vst v1  }
0x18: {  	[tilespmem:$0xED40] =	vst v0;
	v0 =	vimm.f32 $0.0e+00  }
0x19: {  	[tilespmem:$0xED80] =	vst v0  }
0x1a: {  	[tilespmem:$0xED90] =	vst v0  }
0x1b: {  	[tilespmem:$0xEDA0] =	vst v0  }
0x1c: {  	[tilespmem:$0xEDB0] =	vst v0  }
0x1d: {  	[tilespmem:$0xEDC0] =	vst v0  }
0x1e: {  	[tilespmem:$0xEDD0] =	vst v0  }
0x1f: {  	[tilespmem:$0xEDE0] =	vst v0  }
0x20: {  	[tilespmem:$0xEDF0] =	vst v0  }
0x21: {  	[tilespmem:$0xEE00] =	vst v0  }
0x22: {  	[tilespmem:$0xEE10] =	vst v0  }
0x23: {  	[tilespmem:$0xEE20] =	vst v0  }
0x24: {  	[tilespmem:$0xEE30] =	vst v0  }
0x25: {  	[tilespmem:$0xEE40] =	vst v0  }
0x26: {  	[tilespmem:$0xEE50] =	vst v0  }
0x27: {  	[tilespmem:$0xEE60] =	vst v0  }
0x28: {  	[tilespmem:$0xEE70] =	vst v0  }
0x29: {  	[tilespmem:$0xEE80] =	vst v0  }
0x2a: {  	[tilespmem:$0xEE90] =	vst v0  }
0x2b: {  	[tilespmem:$0xEEA0] =	vst v0  }
0x2c: {  	[tilespmem:$0xEEB0] =	vst v0  }
0x2d: {  	[tilespmem:$0xEEC0] =	vst v0  }
0x2e: {  	[tilespmem:$0xEED0] =	vst v0  }
0x2f: {  	[tilespmem:$0xEEE0] =	vst v0  }
0x30: {  	[tilespmem:$0xEEF0] =	vst v0  }
0x31: {  	[tilespmem:$0xEF00] =	vst v0  }
0x32: {  	[tilespmem:$0xEF10] =	vst v0  }
0x33: {  	[tilespmem:$0xEF20] =	vst v0  }
0x34: {  	[tilespmem:$0xEF30] =	vst v0  }
0x35: {  	[tilespmem:$0xEF40] =	vst v0  }
0x36: {  	[tilespmem:$0xEF50] =	vst v0  }
0x37: {  	[tilespmem:$0xEF60] =	vst v0  }
0x38: {  	[tilespmem:$0xEF70] =	vst v0  }
0x39: {  	[tilespmem:$0xEF80] =	vst v0  }
0x3a: {  	[tilespmem:$0xEF90] =	vst v0  }
0x3b: {  	[tilespmem:$0xEFA0] =	vst v0  }
0x3c: {  	[tilespmem:$0xEFB0] =	vst v0  }
0x3d: {  	s29 =	smul.u32 $0xA00, s3;
	[tilespmem:$0xEFC0] =	vst v0  }
0x3e: {  	[tilespmem:$0xEFD0] =	vst v0  }
0x3f: {  	s8 =	sshrl.u32 s29, $0x2;
	[tilespmem:$0xEFE0] =	vst v0  }
0x40: {  	s30 =	simm.s32 $0xED80;
	s31 =	simm.s32 $0x5;
	s8 =	sadd.s32 s8, s7;
	[tilespmem:$0xEFF0] =	vst v0  }
0x41: {  	[spmem:s8] =	stream.linear.scatter [tilespmem:s30], [sflag:$0x5], $0x280, $0x38;
	[tilespmem:$0x10C00] =	vst v63  }
0x42: {  	_ =	swait.ge [sflag:s31], $0x280  }
0x43: {  	s12 =	simm.s32 $0x0;
	[sflag:s31] =	ssyncset.done $0x0  }
0x44: {  	s13 =	simm.s32 $0x200;
	s11 =	sadd.s32 $0x3A00, s6;
	[sflag:s31] =	ssyncadd.s32 $0xFFFFFD80  }
0x45: {  	s10 =	sadd.s32 $0x4000, s6;
	s6 =	sadd.s32 $0x4600, s6;
	[bflag:$0x0] =	sbarrier.arrive $0xFFFF  }
.LBB2_1:
0x46: {  	p0 =	sne.s32 s13, $0x9E00;
	[tilespmem:s12+$0xC570] =	vst v0  }
0x47: {  	[tilespmem:s12+$0xC500] =	vst v0  }
0x48: {  	[tilespmem:s12+$0xC510] =	vst v0  }
.Ltmp0:
0x49: {  	[tilespmem:s12+$0xC520] =	vst v0;
	(pc) =	sbr.rel @p0 .LBB2_1-.Ltmp0, $4  }
0x4a: {  	[tilespmem:s12+$0xC530] =	vst v0  }
0x4b: {  	[tilespmem:s12+$0xC540] =	vst v0  }
0x4c: {  	[tilespmem:s12+$0xC550] =	vst v0  }
0x4d: {  	[tilespmem:s12+$0xC560] =	vst v0;
	s12 =	sshra.s32 s13, $0x2;
	s13 =	sadd.s32 $0x200, s13  }
0x4e: {  	[tilespmem:s12+$0xC570] =	vst v0  }
0x4f: {  	[tilespmem:s12+$0xC500] =	vst v0  }
0x50: {  	[tilespmem:s12+$0xC510] =	vst v0  }
0x51: {  	[tilespmem:s12+$0xC520] =	vst v0  }
0x52: {  	[tilespmem:s12+$0xC530] =	vst v0  }
0x53: {  	[tilespmem:s12+$0xC540] =	vst v0  }
0x54: {  	[tilespmem:s12+$0xC550] =	vst v0  }
0x55: {  	[tilespmem:s12+$0xC560] =	vst v0;
	s31 =	simm.s32 $0x1  }
0x56: {  	_ =	swait.ge [sflag:s31], $0x4E20  }
0x57: {  	[sflag:s31] =	ssyncset.done $0x0  }
0x58: {  	[sflag:s31] =	ssyncadd.s32 $0xFFFFB1E0  }
0x59: {  	_ =	swait.ge [sflag:s31], $0x4E20  }
0x5a: {  	[sflag:s31] =	ssyncset.done $0x0  }
0x5b: {  	[sflag:s31] =	ssyncadd.s32 $0xFFFFB1E0  }
0x5c: {  	_ =	swait.ge [sflag:s31], $0x2800  }
0x5d: {  	[sflag:s31] =	ssyncset.done $0x0  }
0x5e: {  	[sflag:s31] =	ssyncadd.s32 $0xFFFFD800  }
0x5f: {  	_ =	swait.ge [sflag:s31], $0x280  }
0x60: {  	[sflag:s31] =	ssyncset.done $0x0  }
0x61: {  	[sflag:s31] =	ssyncadd.s32 $0xFFFFFD80  }
0x62: {  	_ =	swait.ge [sflag:s31], $0x100  }
0x63: {  	[sflag:s31] =	ssyncset.done $0x0  }
0x64: {  	s14 =	simm.s32 $0x40;
	[sflag:s31] =	ssyncadd.s32 $0xFFFFFF00  }
0x65: {  	v0 =	vld [tilespmem:s14+$0x30]  }
0x66: {  	v1 =	vld [tilespmem:s14+$0xFFFFFFD0]  }
0x67: {  	v2 =	vld [tilespmem:s14+$0xFFFFFFE0]  }
0x68: {  	v3 =	vld [tilespmem:s14+$0xFFFFFFF0]  }
0x69: {  	v4 =	vld [tilespmem:s14+$0x0]  }
0x6a: {  	s12 =	simm.s32 $0x4EC0;
	v5 =	vld [tilespmem:s14+$0x10]  }
0x6b: {  	v6 =	vld [tilespmem:s12+$0x30]  }
0x6c: {  	v7 =	vld [tilespmem:s14+$0x20]  }
0x6d: {  	v8 =	vld [tilespmem:s14+$0xFFFFFFC0]  }
0x6e: {  	v63 =	vld [tilespmem:s12+$0xFFFFFFC0]  }
0x6f: {  	v10 =	vld [tilespmem:s12+$0xFFFFFFD0]  }
0x70: {  	v11 =	vld [tilespmem:s12+$0xFFFFFFE0]  }
0x71: {  	v12 =	vld [tilespmem:s12+$0xFFFFFFF0]  }
0x72: {  	v13 =	vld [tilespmem:s12+$0x0]  }
0x73: {  	s13 =	simm.s32 $0x9D00;
	v14 =	vld [tilespmem:s12+$0x10]  }
0x74: {  	v0 =	vld.idx.msk [tilespmem:v0+s13+$0x0], $0xffff  }
0x75: {  	v9 =	vld.idx.msk [tilespmem:v1+s13+$0x0], $0xffff  }
0x76: {  	v2 =	vld.idx.msk [tilespmem:v2+s13+$0x0], $0xffff  }
0x77: {  	v3 =	vld.idx.msk [tilespmem:v3+s13+$0x0], $0xffff  }
0x78: {  	v4 =	vld.idx.msk [tilespmem:v4+s13+$0x0], $0xffff  }
0x79: {  	v62 =	vld.idx.msk [tilespmem:v8+s13+$0x0], $0xffff  }
0x7a: {  	v5 =	vld.idx.msk [tilespmem:v5+s13+$0x0], $0xffff  }
0x7b: {  	s14 =	simm.s32 $0xC500;
	v1 =	vld [tilespmem:s12+$0x20]  }
0x7c: {  	[tilespmem:v6+s14+$0x0] =	vst.idx.add.f32.msk $0xffff, v0  }
0x7d: {  	v0 =	vld.idx.msk [tilespmem:v7+s13+$0x0], $0xffff  }
0x7e: {  	[tilespmem:v63+s14+$0x0] =	vst.idx.add.f32.msk $0xffff, v62  }
0x7f: {  	[tilespmem:v10+s14+$0x0] =	vst.idx.add.f32.msk $0xffff, v9  }
0x80: {  	[tilespmem:v11+s14+$0x0] =	vst.idx.add.f32.msk $0xffff, v2  }
0x81: {  	[tilespmem:v12+s14+$0x0] =	vst.idx.add.f32.msk $0xffff, v3  }
0x82: {  	[tilespmem:v13+s14+$0x0] =	vst.idx.add.f32.msk $0xffff, v4  }
0x83: {  	s15 =	simm.s32 $0x0;
	s16 =	simm.s32 $0xC0;
	[tilespmem:v14+s14+$0x0] =	vst.idx.add.f32.msk $0xffff, v5  }
.LBB2_3:
0x84: {  	v2 =	vld [tilespmem:s16+$0x30];
	s15 =	sadd.s32 $0x8, s15  }
0x85: {  	v3 =	vld [tilespmem:s16+$0xFFFFFFD0];
	p0 =	slt.u32 s15, $0x4D8  }
0x86: {  	v4 =	vld [tilespmem:s16+$0xFFFFFFE0]  }
0x87: {  	v5 =	vld [tilespmem:s16+$0xFFFFFFF0]  }
0x88: {  	v6 =	vld [tilespmem:s16+$0x0]  }
0x89: {  	s12 =	sadd.s32 $0x80, s12;
	v7 =	vld [tilespmem:s16+$0x10]  }
0x8a: {  	v8 =	vld [tilespmem:s12+$0x30]  }
0x8b: {  	v9 =	vld [tilespmem:s16+$0x20]  }
0x8c: {  	v2 =	vld.idx.msk [tilespmem:v2+s13+$0x0], $0xffff  }
0x8d: {  	v10 =	vld [tilespmem:s16+$0xFFFFFFC0]  }
0x8e: {  	v3 =	vld.idx.msk [tilespmem:v3+s13+$0x0], $0xffff  }
0x8f: {  	v4 =	vld.idx.msk [tilespmem:v4+s13+$0x0], $0xffff  }
0x90: {  	v5 =	vld.idx.msk [tilespmem:v5+s13+$0x0], $0xffff  }
0x91: {  	v6 =	vld.idx.msk [tilespmem:v6+s13+$0x0], $0xffff  }
0x92: {  	[tilespmem:v8+s14+$0x0] =	vst.idx.add.f32.msk $0xffff, v2  }
0x93: {  	v2 =	vld.idx.msk [tilespmem:v7+s13+$0x0], $0xffff  }
0x94: {  	v7 =	vld.idx.msk [tilespmem:v9+s13+$0x0], $0xffff  }
0x95: {  	v8 =	vld.idx.msk [tilespmem:v10+s13+$0x0], $0xffff  }
0x96: {  	v9 =	vld [tilespmem:s12+$0xFFFFFFC0]  }
0x97: {  	v10 =	vld [tilespmem:s12+$0xFFFFFFD0]  }
0x98: {  	v11 =	vld [tilespmem:s12+$0xFFFFFFE0]  }
0x99: {  	v12 =	vld [tilespmem:s12+$0xFFFFFFF0]  }
0x9a: {  	v13 =	vld [tilespmem:s12+$0x0]  }
0x9b: {  	v14 =	vld [tilespmem:s12+$0x10]  }
0x9c: {  	v15 =	vld [tilespmem:s12+$0x20]  }
0x9d: {  	[tilespmem:v1+s14+$0x0] =	vst.idx.add.f32.msk $0xffff, v0;
	v0 =	vmov v7  }
0x9e: {  	[tilespmem:v9+s14+$0x0] =	vst.idx.add.f32.msk $0xffff, v8  }
.Ltmp1:
0x9f: {  	[tilespmem:v10+s14+$0x0] =	vst.idx.add.f32.msk $0xffff, v3;
	(pc) =	sbr.rel @p0 .LBB2_3-.Ltmp1, $4  }
0xa0: {  	[tilespmem:v11+s14+$0x0] =	vst.idx.add.f32.msk $0xffff, v4  }
0xa1: {  	[tilespmem:v12+s14+$0x0] =	vst.idx.add.f32.msk $0xffff, v5;
	v1 =	vmov v15  }
0xa2: {  	[tilespmem:v13+s14+$0x0] =	vst.idx.add.f32.msk $0xffff, v6  }
0xa3: {  	s16 =	sadd.s32 $0x80, s16;
	[tilespmem:v14+s14+$0x0] =	vst.idx.add.f32.msk $0xffff, v2  }
0xa4: {  	_ =	sdelay $0x3  }
0xa5: {  	[tilespmem:v1+s14+$0x0] =	vst.idx.add.f32.msk $0xffff, v0;
	s12 =	simm.s32 $0x0;
	s13 =	simm.s32 $0x9D00;
	s14 =	simm.s32 $0xC500  }
.LBB2_5:
0xa6: {  	s15 =	sshra.s32 s12, $0x2  }
0xa7: {  	v0 =	vld [tilespmem:s15+$0x4E00];
	_ =	sdelay $0x4  }
0xa8: {  	v1 =	vld [tilespmem:s15+$0x9C80];
	_ =	sdelay $0x2  }
0xa9: {  	p0 =	sne.s32 s12, $0x40;
	v0 =	vld.idx.msk [tilespmem:v0+s13+$0x0], $0xffff  }
.Ltmp2:
0xaa: {  	_ = 	snop;
	(pc) =	sbr.rel @p0 .LBB2_5-.Ltmp2, $2  }
0xab: {  	_ =	sdelay $0x2  }
0xac: {  	s12 =	sadd.s32 $0x40, s12;
	[tilespmem:v1+s14+$0x0] =	vst.idx.add.f32.msk $0xffff, v0  }
0xad: {  	s12 =	simm.s32 $0x50  }
0xae: {  	s13 =	simm.s32 $0xED00;
	s14 =	simm.s32 $0xC500;
	s31 =	simm.s32 $0x5  }
0xaf: {  	[spmem:s7] =	stream.indirect.scatter.add.f32 [tilespmem:s14], [sflag:$0x5], $0x80, s13, s12, $0xb8;
	[tilespmem:$0x10C00] =	vst v63  }
0xb0: {  	_ =	swait.ge [sflag:s31], $0x2800  }
0xb1: {  	[sflag:s31] =	ssyncset.done $0x0  }
0xb2: {  	v0 =	vimm.f32 $0.0e+00;
	s12 =	simm.s32 $0x0;
	s13 =	simm.s32 $0x200;
	[sflag:s31] =	ssyncadd.s32 $0xFFFFD800  }
.LBB2_7:
0xb3: {  	p0 =	sne.s32 s13, $0x9E00;
	[tilespmem:s12+$0xC570] =	vst v0  }
0xb4: {  	[tilespmem:s12+$0xC500] =	vst v0  }
0xb5: {  	[tilespmem:s12+$0xC510] =	vst v0  }
.Ltmp3:
0xb6: {  	[tilespmem:s12+$0xC520] =	vst v0;
	(pc) =	sbr.rel @p0 .LBB2_7-.Ltmp3, $4  }
0xb7: {  	[tilespmem:s12+$0xC530] =	vst v0  }
0xb8: {  	[tilespmem:s12+$0xC540] =	vst v0  }
0xb9: {  	[tilespmem:s12+$0xC550] =	vst v0  }
0xba: {  	[tilespmem:s12+$0xC560] =	vst v0;
	s12 =	sshra.s32 s13, $0x2;
	s13 =	sadd.s32 $0x200, s13  }
0xbb: {  	[tilespmem:s12+$0xC570] =	vst v0  }
0xbc: {  	[tilespmem:s12+$0xC500] =	vst v0  }
0xbd: {  	[tilespmem:s12+$0xC510] =	vst v0  }
0xbe: {  	[tilespmem:s12+$0xC520] =	vst v0  }
0xbf: {  	[tilespmem:s12+$0xC530] =	vst v0  }
0xc0: {  	[tilespmem:s12+$0xC540] =	vst v0  }
0xc1: {  	[tilespmem:s12+$0xC550] =	vst v0  }
0xc2: {  	[tilespmem:s12+$0xC560] =	vst v0  }
0xc3: {  	s16 =	simm.s32 $0xF180;
	s17 =	simm.s32 $0x5;
	[bflag:$0x0] =	sbarrier.arrive $0xFFFF  }
0xc4: {  	[tilespmem:s16], [sflag:$0x5] =	stream.linear.gather [spmem:s8], $0x280, $0x38;
	[tilespmem:$0x10C00] =	vst v63  }
0xc5: {  	_ =	swait.ge [sflag:s17], $0x280  }
0xc6: {  	[sflag:s17] =	ssyncset.done $0x0  }
0xc7: {  	s13 =	simm.s32 $0xED80;
	[sflag:s17] =	ssyncadd.s32 $0xFFFFFD80  }
0xc8: {  	[spmem:s8] =	stream.linear.scatter [tilespmem:s13], [sflag:$0x5], $0x280, $0x38;
	[tilespmem:$0x10C00] =	vst v63  }
0xc9: {  	s18 =	simm.s32 $0x0;
	_ =	swait.ge [sflag:s17], $0x280  }
0xca: {  	s14 =	simm.s32 $0x30;
	s15 =	sand.u32 $0x380, s18;
	[sflag:s17] =	ssyncset.done $0x0  }
0xcb: {  	s19 =	sand.u32 $0x70, s14;
	s15 =	sadd.s32 $0xF180, s15;
	[sflag:s17] =	ssyncadd.s32 $0xFFFFFD80  }
0xcc: {  	s20 =	simm.s32 $0xFAA0;
	s16 =	sor.u32 s19, s15;
	v0 =	vld [tilespmem:$0xFD10]  }
0xcd: {  	s12 =	simm.s32 $0xF5A0;
	s21 =	simm.s32 $0x20;
	s13 =	sand.u32 $0x40, s18;
	v1 =	vld [tilespmem:s16+$0x0]  }
0xce: {  	s22 =	sadd.s32 $0x10, s5;
	s13 =	sor.u32 s13, s15;
	s17 =	simm.s32 $0x10;
	v2 =	vld [tilespmem:s20+$0x10]  }
0xcf: {  	s23 =	sadd.s32 $0x20, s5;
	s24 =	simm.s32 $0x40;
	s17 =	sand.u32 $0x50, s17;
	v3 =	vld [tilespmem:s13+$0x0]  }
0xd0: {  	s25 =	simm.s32 $0x50;
	s16 =	sand.u32 $0x60, s21;
	v6 =	vld [tilespmem:s20+$0xFFFFFFE0];
	s17 =	sor.u32 s17, s15  }
0xd1: {  	s28 =	sadd.s32 $0x30, s5;
	s30 =	sadd.s32 $0x40, s5;
	s15 =	sor.u32 s16, s15;
	v4 =	vld [tilespmem:s17+$0x0]  }
0xd2: {  	s31 =	sadd.s32 $0x60, s5;
	p2 =	slt.u32 s22, $0x2710;
	p0 =	slt.u32 s23, $0x2710;
	v5 =	vld [tilespmem:s15+$0x0]  }
0xd3: {  	s26 =	sand.u32 $0x380, s24;
	s18 =	sadd.s32 $0x0, s5;
	v7 =	vld [tilespmem:s20+$0xFFFFFFF0];
	s15 =	simm.s32 $0x70  }
0xd4: {  	p1 =	slt.u32 s18, $0x2710;
	s18 =	sadd.s32 $0xF180, s26;
	v8 =	vld [tilespmem:s20+$0x0];
	s19 =	sand.u32 $0x70, s15;
	v1 =	vadd.f32 v1, v0  }
0xd5: {  	p3 =	slt.u32 s28, $0x2710;
	s14 =	simm.s32 $0xFAE0;
	s19 =	sor.u32 s19, s18;
	v3 =	vadd.f32 v3, v0  }
0xd6: {  	p6 =	slt.u32 s30, $0x2710;
	p4 =	slt.u32 s31, $0x2710;
	p2 =	por p2, p2;
	v9 =	vld [tilespmem:s19+$0x0];
	v1 =	vadd.f32 v2, v1;
	v2 =	vadd.f32 v4, v0  }
0xd7: {  	p0 =	por p0, p0;
	p1 =	por p1, p1;
	s16 =	sand.u32 $0x40, s24;
	v4 =	vadd.f32 v5, v0;
	v3 =	vadd.f32 v6, v3  }
0xd8: {  	s20 =	simm.s32 $0x60;
	s17 =	sand.u32 $0x50, s25;
	s16 =	sor.u32 s16, s18;
	v5 =	vmax.f32 v1, $0.0e+00;
	v1 =	vld [tilespmem:s14+$0x10];
	v6 =	vadd.f32 v7, v2  }
0xd9: {  	s21 =	sadd.s32 $0x50, s5;
	s29 =	sand.u32 $0x60, s20;
	s17 =	sor.u32 s17, s18;
	v2 =	vld [tilespmem:s16+$0x0];
	v7 =	vmax.f32 v3, $0.0e+00;
	v8 =	vadd.f32 v8, v4;
	v5 =	vpsel !p3, $0x0, v5  }
0xda: {  	s13 =	simm.s32 $0x4;
	p5 =	slt.u32 s21, $0x2710;
	s18 =	sor.u32 s29, s18;
	v3 =	vld [tilespmem:s17+$0x0];
	v7 =	vpsel !p1, $0x0, v7;
	[tilespmem:s12+$0x10] =	vst v5;
	v6 =	vmax.f32 v6, $0.0e+00  }
0xdb: {  	v4 =	vld [tilespmem:s18+$0x0];
	s16 =	simm.s32 $0xB0;
	p1 =	por p6, p6;
	v5 =	vadd.f32 v9, v0;
	[tilespmem:s12+$0xFFFFFFE0] =	vst v7;
	v7 =	vmax.f32 v8, $0.0e+00;
	v6 =	vpsel !p2, $0x0, v6;
	p2 =	por p5, p5  }
.LBB2_9:
0xdc: {  	s17 =	sadd.s32 $0xFFFFFFD0, s16;
	s18 =	sadd.s32 $0xFFFFFFE0, s16  }
0xdd: {  	s13 =	sadd.s32 $0x4, s13;
	v8 =	vld [tilespmem:s14+$0xFFFFFFE0];
	[tilespmem:s12+$0xFFFFFFF0] =	vst v6;
	v6 =	vpsel !p0, $0x0, v7;
	p0 =	por p4, p4;
	s20 =	sadd.s32 $0xFFFFFFF0, s16  }
0xde: {  	s21 =	sand.u32 $0x70, s16;
	s19 =	sand.u32 $0x380, s17;
	p3 =	slt.u32 s13, $0x24;
	v7 =	vld [tilespmem:s14+$0xFFFFFFF0];
	v1 =	vadd.f32 v1, v5;
	[tilespmem:s12+$0x0] =	vst v6  }
0xdf: {  	s15 =	sadd.s32 s5, s15;
	s22 =	sand.u32 $0x40, s17;
	s19 =	sadd.s32 $0xF180, s19;
	v2 =	vadd.f32 v2, v0;
	v5 =	vld [tilespmem:s14+$0x0]  }
0xe0: {  	p4 =	slt.u32 s15, $0x2710;
	s15 =	sand.u32 $0x50, s18;
	s21 =	sor.u32 s21, s19;
	v3 =	vadd.f32 v3, v0;
	v1 =	vmax.f32 v1, $0.0e+00  }
0xe1: {  	s23 =	sand.u32 $0x60, s20;
	s12 =	sadd.s32 $0x40, s12;
	s14 =	sadd.s32 $0x40, s14;
	v6 =	vld [tilespmem:s21+$0x0];
	v4 =	vadd.f32 v4, v0;
	v1 =	vpsel !p4, $0x0, v1  }
.Ltmp4:
0xe2: {  	s15 =	sor.u32 s15, s19;
	s21 =	sor.u32 s22, s19;
	v8 =	vadd.f32 v8, v2;
	[tilespmem:s12+$0x10] =	vst v1;
	(pc) =	sbr.rel @p3 .LBB2_9-.Ltmp4, $4  }
0xe3: {  	s17 =	sadd.s32 s5, s17;
	s18 =	sadd.s32 s5, s18;
	s19 =	sor.u32 s23, s19;
	v1 =	vld [tilespmem:s14+$0x10];
	v7 =	vadd.f32 v7, v3  }
0xe4: {  	p6 =	slt.u32 s17, $0x2710;
	p5 =	slt.u32 s18, $0x2710;
	s17 =	sadd.s32 s5, s20;
	v2 =	vld [tilespmem:s21+$0x0];
	v8 =	vmax.f32 v8, $0.0e+00;
	v9 =	vadd.f32 v5, v4  }
0xe5: {  	p4 =	slt.u32 s17, $0x2710;
	v3 =	vld [tilespmem:s15+$0x0];
	v8 =	vpsel !p1, $0x0, v8;
	v7 =	vmax.f32 v7, $0.0e+00;
	s15 =	smov.u32 s16;
	p1 =	por p6, p6  }
0xe6: {  	s16 =	sadd.s32 $0x40, s16;
	v4 =	vld [tilespmem:s19+$0x0];
	v5 =	vadd.f32 v6, v0;
	[tilespmem:s12+$0xFFFFFFE0] =	vst v8;
	v6 =	vpsel !p2, $0x0, v7;
	v7 =	vmax.f32 v9, $0.0e+00;
	p2 =	por p5, p5  }
0xe7: {  	v8 =	vld [tilespmem:s14+$0xFFFFFFE0]  }
0xe8: {  	v9 =	vld [tilespmem:s14+$0xFFFFFFF0]  }
0xe9: {  	v10 =	vld [tilespmem:s14+$0x0]  }
0xea: {  	v2 =	vadd.f32 v2, v0  }
0xeb: {  	v1 =	vadd.f32 v1, v5;
	v3 =	vadd.f32 v3, v0  }
0xec: {  	s13 =	sadd.s32 s5, s15;
	v0 =	vadd.f32 v4, v0;
	v2 =	vadd.f32 v8, v2  }
0xed: {  	[tilespmem:s12+$0xFFFFFFF0] =	vst v6;
	v54 =	vpsel !p0, $0x0, v7;
	p5 =	slt.u32 s13, $0x2710;
	v1 =	vmax.f32 v1, $0.0e+00;
	v3 =	vadd.f32 v9, v3  }
0xee: {  	s25 =	sadd.s32 $0x40, s12;
	[tilespmem:s12+$0x0] =	vst v54;
	v1 =	vpsel !p5, $0x0, v1;
	v0 =	vadd.f32 v10, v0;
	v2 =	vmax.f32 v2, $0.0e+00  }
0xef: {  	[tilespmem:s25+$0x10] =	vst v1;
	v1 =	vpsel !p1, $0x0, v2;
	v2 =	vmax.f32 v3, $0.0e+00  }
0xf0: {  	p6 =	por p4, p4;
	v0 =	vmax.f32 v0, $0.0e+00;
	[tilespmem:s25+$0xFFFFFFE0] =	vst v1;
	v1 =	vpsel !p2, $0x0, v2  }
0xf1: {  	v0 =	vpsel !p6, $0x0, v0;
	[tilespmem:s25+$0xFFFFFFF0] =	vst v1  }
0xf2: {  	s11 =	sadd.s32 s11, s4;
	s26 =	simm.s32 $0x0;
	s28 =	simm.s32 $0xF580;
	[tilespmem:s25+$0x0] =	vst v0  }
0xf3: {  	[hbm4b:s11+s26] =	stream.linear.scatter [tilespmem:s28], [sflag:$0x3], $0x280, $0x38;
	[tilespmem:$0x10C00] =	vst v63  }
0xf4: {  	s29 =	simm.s32 $0x5;
	s11 =	sadd.s32 s5, s9  }
0xf5: {  	[spmem:s11] =	stream.linear.scatter [tilespmem:s28], [sflag:$0x5], $0x280, $0x38;
	[tilespmem:$0x10C00] =	vst v63  }
0xf6: {  	_ =	swait.ge [sflag:s29], $0x280  }
0xf7: {  	[sflag:s29] =	ssyncset.done $0x0  }
0xf8: {  	[sflag:s29] =	ssyncadd.s32 $0xFFFFFD80  }
0xf9: {  	s30 =	simm.s32 $0x2;
	s12 =	simm.s32 $0x9D00;
	[bflag:$0x0] =	sbarrier.arrive $0xFFFF  }
0xfa: {  	[tilespmem:s12], [sflag:$0x2] =	stream.linear.gather [spmem:s9], $0x2800, $0x38;
	[tilespmem:$0x10C00] =	vst v63  }
0xfb: {  	_ =	swait.ge [sflag:s30], $0x2800  }
0xfc: {  	[sflag:s30] =	ssyncset.done $0x0  }
0xfd: {  	s31 =	simm.s32 $0x40;
	[sflag:s30] =	ssyncadd.s32 $0xFFFFD800  }
0xfe: {  	v0 =	vld [tilespmem:s31+$0x30]  }
0xff: {  	v1 =	vld [tilespmem:s31+$0xFFFFFFD0]  }
0x100: {  	v2 =	vld [tilespmem:s31+$0xFFFFFFE0]  }
0x101: {  	v3 =	vld [tilespmem:s31+$0xFFFFFFF0]  }
0x102: {  	v55 =	vld [tilespmem:s31+$0x0]  }
0x103: {  	s13 =	simm.s32 $0x4EC0;
	v56 =	vld [tilespmem:s31+$0x10]  }
0x104: {  	v57 =	vld [tilespmem:s13+$0x30]  }
0x105: {  	v58 =	vld [tilespmem:s31+$0x20]  }
0x106: {  	v59 =	vld [tilespmem:s31+$0xFFFFFFC0]  }
0x107: {  	v62 =	vld [tilespmem:s13+$0xFFFFFFC0]  }
0x108: {  	v63 =	vld [tilespmem:s13+$0xFFFFFFD0]  }
0x109: {  	v11 =	vld [tilespmem:s13+$0xFFFFFFE0]  }
0x10a: {  	v12 =	vld [tilespmem:s13+$0xFFFFFFF0]  }
0x10b: {  	v13 =	vld [tilespmem:s13+$0x0]  }
0x10c: {  	v14 =	vld [tilespmem:s13+$0x10]  }
0x10d: {  	v0 =	vld.idx.msk [tilespmem:v0+s12+$0x0], $0xffff  }
0x10e: {  	v60 =	vld.idx.msk [tilespmem:v1+s12+$0x0], $0xffff  }
0x10f: {  	v2 =	vld.idx.msk [tilespmem:v2+s12+$0x0], $0xffff  }
0x110: {  	v3 =	vld.idx.msk [tilespmem:v3+s12+$0x0], $0xffff  }
0x111: {  	v4 =	vld.idx.msk [tilespmem:v55+s12+$0x0], $0xffff  }
0x112: {  	v61 =	vld.idx.msk [tilespmem:v59+s12+$0x0], $0xffff  }
0x113: {  	v5 =	vld.idx.msk [tilespmem:v56+s12+$0x0], $0xffff  }
0x114: {  	s14 =	simm.s32 $0xC500;
	v1 =	vld [tilespmem:s13+$0x20]  }
0x115: {  	[tilespmem:v57+s14+$0x0] =	vst.idx.add.f32.msk $0xffff, v0  }
0x116: {  	v0 =	vld.idx.msk [tilespmem:v58+s12+$0x0], $0xffff  }
0x117: {  	[tilespmem:v62+s14+$0x0] =	vst.idx.add.f32.msk $0xffff, v61  }
0x118: {  	[tilespmem:v63+s14+$0x0] =	vst.idx.add.f32.msk $0xffff, v60  }
0x119: {  	[tilespmem:v11+s14+$0x0] =	vst.idx.add.f32.msk $0xffff, v2  }
0x11a: {  	[tilespmem:v12+s14+$0x0] =	vst.idx.add.f32.msk $0xffff, v3  }
0x11b: {  	[tilespmem:v13+s14+$0x0] =	vst.idx.add.f32.msk $0xffff, v4  }
0x11c: {  	s15 =	simm.s32 $0x0;
	s16 =	simm.s32 $0xC0;
	[tilespmem:v14+s14+$0x0] =	vst.idx.add.f32.msk $0xffff, v5  }
.LBB2_11:
0x11d: {  	v2 =	vld [tilespmem:s16+$0x30];
	s15 =	sadd.s32 $0x8, s15  }
0x11e: {  	v3 =	vld [tilespmem:s16+$0xFFFFFFD0];
	p0 =	slt.u32 s15, $0x4D8  }
0x11f: {  	v4 =	vld [tilespmem:s16+$0xFFFFFFE0]  }
0x120: {  	v5 =	vld [tilespmem:s16+$0xFFFFFFF0]  }
0x121: {  	v6 =	vld [tilespmem:s16+$0x0]  }
0x122: {  	s13 =	sadd.s32 $0x80, s13;
	v7 =	vld [tilespmem:s16+$0x10]  }
0x123: {  	v8 =	vld [tilespmem:s13+$0x30]  }
0x124: {  	v9 =	vld [tilespmem:s16+$0x20]  }
0x125: {  	v2 =	vld.idx.msk [tilespmem:v2+s12+$0x0], $0xffff  }
0x126: {  	v10 =	vld [tilespmem:s16+$0xFFFFFFC0]  }
0x127: {  	v3 =	vld.idx.msk [tilespmem:v3+s12+$0x0], $0xffff  }
0x128: {  	v4 =	vld.idx.msk [tilespmem:v4+s12+$0x0], $0xffff  }
0x129: {  	v5 =	vld.idx.msk [tilespmem:v5+s12+$0x0], $0xffff  }
0x12a: {  	v6 =	vld.idx.msk [tilespmem:v6+s12+$0x0], $0xffff  }
0x12b: {  	[tilespmem:v8+s14+$0x0] =	vst.idx.add.f32.msk $0xffff, v2  }
0x12c: {  	v2 =	vld.idx.msk [tilespmem:v7+s12+$0x0], $0xffff  }
0x12d: {  	v7 =	vld.idx.msk [tilespmem:v9+s12+$0x0], $0xffff  }
0x12e: {  	v8 =	vld.idx.msk [tilespmem:v10+s12+$0x0], $0xffff  }
0x12f: {  	v9 =	vld [tilespmem:s13+$0xFFFFFFC0]  }
0x130: {  	v10 =	vld [tilespmem:s13+$0xFFFFFFD0]  }
0x131: {  	v11 =	vld [tilespmem:s13+$0xFFFFFFE0]  }
0x132: {  	v12 =	vld [tilespmem:s13+$0xFFFFFFF0]  }
0x133: {  	v13 =	vld [tilespmem:s13+$0x0]  }
0x134: {  	v14 =	vld [tilespmem:s13+$0x10]  }
0x135: {  	v15 =	vld [tilespmem:s13+$0x20]  }
0x136: {  	[tilespmem:v1+s14+$0x0] =	vst.idx.add.f32.msk $0xffff, v0;
	v0 =	vmov v7  }
0x137: {  	[tilespmem:v9+s14+$0x0] =	vst.idx.add.f32.msk $0xffff, v8  }
.Ltmp5:
0x138: {  	[tilespmem:v10+s14+$0x0] =	vst.idx.add.f32.msk $0xffff, v3;
	(pc) =	sbr.rel @p0 .LBB2_11-.Ltmp5, $4  }
0x139: {  	[tilespmem:v11+s14+$0x0] =	vst.idx.add.f32.msk $0xffff, v4  }
0x13a: {  	[tilespmem:v12+s14+$0x0] =	vst.idx.add.f32.msk $0xffff, v5;
	v1 =	vmov v15  }
0x13b: {  	[tilespmem:v13+s14+$0x0] =	vst.idx.add.f32.msk $0xffff, v6  }
0x13c: {  	s16 =	sadd.s32 $0x80, s16;
	[tilespmem:v14+s14+$0x0] =	vst.idx.add.f32.msk $0xffff, v2  }
0x13d: {  	_ =	sdelay $0x3  }
0x13e: {  	[tilespmem:v1+s14+$0x0] =	vst.idx.add.f32.msk $0xffff, v0;
	s12 =	simm.s32 $0x0;
	s13 =	simm.s32 $0x9D00;
	s14 =	simm.s32 $0xC500  }
.LBB2_13:
0x13f: {  	s15 =	sshra.s32 s12, $0x2  }
0x140: {  	v0 =	vld [tilespmem:s15+$0x4E00];
	_ =	sdelay $0x4  }
0x141: {  	v1 =	vld [tilespmem:s15+$0x9C80];
	_ =	sdelay $0x2  }
0x142: {  	p0 =	sne.s32 s12, $0x40;
	v0 =	vld.idx.msk [tilespmem:v0+s13+$0x0], $0xffff  }
.Ltmp6:
0x143: {  	_ = 	snop;
	(pc) =	sbr.rel @p0 .LBB2_13-.Ltmp6, $2  }
0x144: {  	_ =	sdelay $0x2  }
0x145: {  	s12 =	sadd.s32 $0x40, s12;
	[tilespmem:v1+s14+$0x0] =	vst.idx.add.f32.msk $0xffff, v0  }
0x146: {  	s12 =	simm.s32 $0x50  }
0x147: {  	s13 =	simm.s32 $0xED00;
	s14 =	simm.s32 $0xC500;
	s31 =	simm.s32 $0x5  }
0x148: {  	[spmem:s7] =	stream.indirect.scatter.add.f32 [tilespmem:s14], [sflag:$0x5], $0x80, s13, s12, $0xb8;
	[tilespmem:$0x10C00] =	vst v63  }
0x149: {  	_ =	swait.ge [sflag:s31], $0x2800  }
0x14a: {  	[sflag:s31] =	ssyncset.done $0x0  }
0x14b: {  	v0 =	vimm.f32 $0.0e+00;
	s12 =	simm.s32 $0x0;
	s13 =	simm.s32 $0x200;
	[sflag:s31] =	ssyncadd.s32 $0xFFFFD800  }
.LBB2_15:
0x14c: {  	p0 =	sne.s32 s13, $0x9E00;
	[tilespmem:s12+$0xC570] =	vst v0  }
0x14d: {  	[tilespmem:s12+$0xC500] =	vst v0  }
0x14e: {  	[tilespmem:s12+$0xC510] =	vst v0  }
.Ltmp7:
0x14f: {  	[tilespmem:s12+$0xC520] =	vst v0;
	(pc) =	sbr.rel @p0 .LBB2_15-.Ltmp7, $4  }
0x150: {  	[tilespmem:s12+$0xC530] =	vst v0  }
0x151: {  	[tilespmem:s12+$0xC540] =	vst v0  }
0x152: {  	[tilespmem:s12+$0xC550] =	vst v0  }
0x153: {  	[tilespmem:s12+$0xC560] =	vst v0;
	s12 =	sshra.s32 s13, $0x2;
	s13 =	sadd.s32 $0x200, s13  }
0x154: {  	[tilespmem:s12+$0xC570] =	vst v0  }
0x155: {  	[tilespmem:s12+$0xC500] =	vst v0  }
0x156: {  	[tilespmem:s12+$0xC510] =	vst v0  }
0x157: {  	[tilespmem:s12+$0xC520] =	vst v0  }
0x158: {  	[tilespmem:s12+$0xC530] =	vst v0  }
0x159: {  	[tilespmem:s12+$0xC540] =	vst v0  }
0x15a: {  	[tilespmem:s12+$0xC550] =	vst v0  }
0x15b: {  	[tilespmem:s12+$0xC560] =	vst v0  }
0x15c: {  	s21 =	simm.s32 $0xF180;
	s22 =	simm.s32 $0x5;
	[bflag:$0x0] =	sbarrier.arrive $0xFFFF  }
0x15d: {  	[tilespmem:s21], [sflag:$0x5] =	stream.linear.gather [spmem:s8], $0x280, $0x38;
	[tilespmem:$0x10C00] =	vst v63  }
0x15e: {  	_ =	swait.ge [sflag:s22], $0x280  }
0x15f: {  	[sflag:s22] =	ssyncset.done $0x0  }
0x160: {  	s13 =	simm.s32 $0xED80;
	[sflag:s22] =	ssyncadd.s32 $0xFFFFFD80  }
0x161: {  	[spmem:s8] =	stream.linear.scatter [tilespmem:s13], [sflag:$0x5], $0x280, $0x38;
	[tilespmem:$0x10C00] =	vst v63  }
0x162: {  	_ =	swait.ge [sflag:s22], $0x280  }
0x163: {  	[sflag:s22] =	ssyncset.done $0x0  }
0x164: {  	s23 =	simm.s32 $0x0;
	[sflag:s22] =	ssyncadd.s32 $0xFFFFFD80  }
0x165: {  	s24 =	sadd.s32 $0x0, s5;
	s15 =	simm.s32 $0x30;
	s14 =	sand.u32 $0x380, s23;
	v2 =	vld [tilespmem:$0xFD30]  }
0x166: {  	s15 =	sand.u32 $0x70, s15;
	s16 =	sand.u32 $0x7F80, s24;
	s14 =	sadd.s32 $0xF180, s14;
	v0 =	vld [tilespmem:$0xFD40]  }
0x167: {  	s17 =	simm.s32 $0x10;
	s16 =	sadd.s32 $0x9D00, s16;
	s18 =	sor.u32 s15, s14;
	v1 =	vld [tilespmem:$0xFD50]  }
0x168: {  	s17 =	sand.u32 $0x50, s17;
	s15 =	sor.u32 s15, s16;
	v3 =	vld [tilespmem:s18+$0x0]  }
0x169: {  	s25 =	simm.s32 $0x20;
	s19 =	sand.u32 $0x40, s23;
	s20 =	sor.u32 s17, s14;
	v4 =	vld [tilespmem:s15+$0x0]  }
0x16a: {  	s12 =	simm.s32 $0xF820;
	s26 =	sand.u32 $0x60, s25;
	s28 =	sor.u32 s19, s14;
	v5 =	vld [tilespmem:s20+$0x0]  }
0x16b: {  	s29 =	sadd.s32 $0x10, s5;
	s30 =	sadd.s32 $0x20, s5;
	s14 =	sor.u32 s26, s14;
	v6 =	vld [tilespmem:s28+$0x0]  }
0x16c: {  	s31 =	simm.s32 $0x40;
	p3 =	slt.u32 s24, $0x2710;
	s19 =	sor.u32 s19, s16;
	v7 =	vld [tilespmem:s14+$0x0]  }
0x16d: {  	p0 =	slt.u32 s29, $0x2710;
	p1 =	slt.u32 s30, $0x2710;
	s17 =	sor.u32 s17, s16;
	v8 =	vld [tilespmem:s19+$0x0]  }
0x16e: {  	s24 =	simm.s32 $0x60;
	s25 =	sand.u32 $0x380, s31;
	s15 =	sor.u32 s26, s16;
	v9 =	vld [tilespmem:s17+$0x0]  }
0x16f: {  	s23 =	sadd.s32 $0x30, s5;
	s30 =	sadd.s32 $0x50, s5;
	p2 =	por p0, p0;
	v10 =	vld [tilespmem:s15+$0x0];
	v3 =	vmul.f32 v3, v2  }
0x170: {  	s20 =	sadd.s32 $0x40, s5;
	s19 =	simm.s32 $0x50;
	s14 =	simm.s32 $0x70;
	v6 =	vmul.f32 v6, v2  }
0x171: {  	s15 =	sadd.s32 $0xF180, s25;
	s26 =	sand.u32 $0x70, s14;
	s21 =	sand.u32 $0x7F80, s20;
	v4 =	vmul.f32 v4, v1;
	v5 =	vmul.f32 v5, v2;
	v3 =	vadd.f32 v3, v0  }
0x172: {  	s18 =	sand.u32 $0x60, s24;
	s22 =	sor.u32 s26, s15;
	s21 =	sadd.s32 $0x9D00, s21;
	v7 =	vmul.f32 v7, v2;
	v8 =	vmul.f32 v8, v1;
	v6 =	vadd.f32 v6, v0  }
0x173: {  	s16 =	sand.u32 $0x40, s31;
	s17 =	sand.u32 $0x50, s19;
	v11 =	vld [tilespmem:s22+$0x0];
	s19 =	sor.u32 s26, s21;
	v9 =	vmul.f32 v9, v1;
	v5 =	vadd.f32 v5, v0;
	v4 =	vadd.f32 v4, v3  }
0x174: {  	s28 =	sor.u32 s17, s15;
	s29 =	sor.u32 s18, s15;
	s15 =	sor.u32 s16, s15;
	v7 =	vadd.f32 v7, v0;
	v3 =	vld [tilespmem:s19+$0x0];
	v6 =	vadd.f32 v8, v6;
	v8 =	vmul.f32 v10, v1  }
0x175: {  	p0 =	por p1, p1;
	p6 =	slt.u32 s23, $0x2710;
	p4 =	slt.u32 s30, $0x2710;
	v9 =	vadd.f32 v9, v5;
	v5 =	vld [tilespmem:s15+$0x0];
	v10 =	vmax.f32 v4, $0.0e+00  }
0x176: {  	s13 =	simm.s32 $0x4;
	s31 =	sadd.s32 $0x60, s5;
	p1 =	slt.u32 s20, $0x2710;
	v4 =	vld [tilespmem:s28+$0x0];
	v12 =	vmax.f32 v6, $0.0e+00;
	v13 =	vadd.f32 v8, v7;
	v10 =	vpsel !p6, $0x0, v10  }
0x177: {  	s16 =	sor.u32 s16, s21;
	s18 =	sor.u32 s18, s21;
	s19 =	sor.u32 s17, s21;
	v6 =	vld [tilespmem:s29+$0x0];
	v9 =	vmax.f32 v9, $0.0e+00;
	v8 =	vpsel !p3, $0x0, v12;
	[tilespmem:s12+$0x10] =	vst v10  }
0x178: {  	s15 =	simm.s32 $0x80;
	v7 =	vld [tilespmem:s16+$0x0];
	p3 =	slt.u32 s31, $0x2710;
	v10 =	vmul.f32 v11, v2;
	[tilespmem:s12+$0xFFFFFFE0] =	vst v8;
	v8 =	vpsel !p2, $0x0, v9;
	v9 =	vmax.f32 v13, $0.0e+00;
	p2 =	por p4, p4  }
.LBB2_17:
0x179: {  	s16 =	sadd.s32 s15, s5;
	s20 =	sadd.s32 $0x10, s15  }
0x17a: {  	s21 =	sadd.s32 $0x20, s15;
	v11 =	vld [tilespmem:s19+$0x0];
	v10 =	vadd.f32 v10, v0;
	v3 =	vmul.f32 v3, v1;
	[tilespmem:s12+$0xFFFFFFF0] =	vst v8;
	v8 =	vpsel !p0, $0x0, v9;
	p0 =	por p3, p3;
	s19 =	sand.u32 $0x380, s15  }
0x17b: {  	s17 =	sadd.s32 $0x30, s15;
	s13 =	sadd.s32 $0x4, s13;
	s14 =	sadd.s32 s5, s14;
	v4 =	vmul.f32 v4, v2;
	v9 =	vld [tilespmem:s18+$0x0];
	[tilespmem:s12+$0x0] =	vst v8  }
0x17c: {  	s18 =	sadd.s32 $0xF180, s19;
	s19 =	sand.u32 $0x70, s17;
	p4 =	slt.u32 s13, $0x24;
	v5 =	vmul.f32 v5, v2;
	v3 =	vadd.f32 v3, v10  }
0x17d: {  	s22 =	sand.u32 $0x7F80, s16;
	s24 =	sand.u32 $0x50, s20;
	s23 =	sor.u32 s19, s18;
	v8 =	vadd.f32 v4, v0;
	v4 =	vmul.f32 v6, v2  }
0x17e: {  	p3 =	slt.u32 s14, $0x2710;
	s14 =	sand.u32 $0x60, s21;
	s22 =	sadd.s32 $0x9D00, s22;
	v10 =	vld [tilespmem:s23+$0x0];
	v5 =	vadd.f32 v5, v0;
	v6 =	vmul.f32 v7, v1;
	v3 =	vmax.f32 v3, $0.0e+00  }
0x17f: {  	s12 =	sadd.s32 $0x40, s12;
	s25 =	sor.u32 s24, s18;
	s19 =	sor.u32 s19, s22;
	v7 =	vmul.f32 v11, v1;
	v11 =	vadd.f32 v4, v0;
	v4 =	vpsel !p3, $0x0, v3  }
.Ltmp8:
0x180: {  	s26 =	sor.u32 s14, s18;
	s23 =	sand.u32 $0x40, s15;
	v3 =	vld [tilespmem:s19+$0x0];
	v6 =	vadd.f32 v6, v5;
	v9 =	vmul.f32 v9, v1;
	[tilespmem:s12+$0x10] =	vst v4;
	(pc) =	sbr.rel @p4 .LBB2_17-.Ltmp8, $4  }
0x181: {  	s18 =	sor.u32 s23, s18;
	s23 =	sor.u32 s23, s22;
	s19 =	sor.u32 s24, s22;
	v4 =	vld [tilespmem:s25+$0x0];
	v7 =	vadd.f32 v7, v8  }
0x182: {  	s20 =	sadd.s32 s5, s20;
	v5 =	vld [tilespmem:s18+$0x0];
	s18 =	sor.u32 s14, s22;
	s14 =	sadd.s32 s5, s21;
	v8 =	vmax.f32 v6, $0.0e+00;
	v9 =	vadd.f32 v9, v11  }
0x183: {  	p5 =	slt.u32 s20, $0x2710;
	v6 =	vld [tilespmem:s26+$0x0];
	p3 =	slt.u32 s14, $0x2710;
	v10 =	vmul.f32 v10, v2;
	v8 =	vpsel !p1, $0x0, v8;
	p1 =	slt.u32 s16, $0x2710;
	v11 =	vmax.f32 v7, $0.0e+00  }
0x184: {  	s15 =	sadd.s32 $0x40, s15;
	s14 =	smov.u32 s17;
	v7 =	vld [tilespmem:s23+$0x0];
	[tilespmem:s12+$0xFFFFFFE0] =	vst v8;
	v8 =	vpsel !p2, $0x0, v11;
	v9 =	vmax.f32 v9, $0.0e+00;
	p2 =	por p5, p5  }
0x185: {  	v11 =	vld [tilespmem:s19+$0x0]  }
0x186: {  	v12 =	vld [tilespmem:s18+$0x0]  }
0x187: {  	v5 =	vmul.f32 v5, v2  }
0x188: {  	v10 =	vadd.f32 v10, v0;
	v3 =	vmul.f32 v3, v1;
	v4 =	vmul.f32 v4, v2  }
0x189: {  	v2 =	vmul.f32 v6, v2;
	v5 =	vadd.f32 v5, v0;
	v50 =	vmul.f32 v7, v1  }
0x18a: {  	v3 =	vadd.f32 v3, v10;
	v4 =	vadd.f32 v4, v0;
	v51 =	vmul.f32 v11, v1  }
0x18b: {  	s13 =	sadd.s32 s5, s14;
	v0 =	vadd.f32 v2, v0;
	v1 =	vmul.f32 v12, v1;
	v2 =	vadd.f32 v50, v5  }
0x18c: {  	[tilespmem:s12+$0xFFFFFFF0] =	vst v8;
	v52 =	vpsel !p0, $0x0, v9;
	p5 =	slt.u32 s13, $0x2710;
	v3 =	vmax.f32 v3, $0.0e+00;
	v4 =	vadd.f32 v51, v4  }
0x18d: {  	s25 =	sadd.s32 $0x40, s12;
	[tilespmem:s12+$0x0] =	vst v52;
	v3 =	vpsel !p5, $0x0, v3;
	v0 =	vadd.f32 v1, v0;
	v2 =	vmax.f32 v2, $0.0e+00  }
0x18e: {  	[tilespmem:s25+$0x10] =	vst v3;
	v1 =	vpsel !p1, $0x0, v2;
	v2 =	vmax.f32 v4, $0.0e+00  }
0x18f: {  	p6 =	por p3, p3;
	v0 =	vmax.f32 v0, $0.0e+00;
	[tilespmem:s25+$0xFFFFFFE0] =	vst v1;
	v1 =	vpsel !p2, $0x0, v2  }
0x190: {  	v0 =	vpsel !p6, $0x0, v0;
	[tilespmem:s25+$0xFFFFFFF0] =	vst v1  }
0x191: {  	s10 =	sadd.s32 s10, s4;
	s26 =	simm.s32 $0x0;
	s28 =	simm.s32 $0xF800;
	[tilespmem:s25+$0x0] =	vst v0  }
0x192: {  	[hbm4b:s10+s26] =	stream.linear.scatter [tilespmem:s28], [sflag:$0x4], $0x280, $0x38;
	[tilespmem:$0x10C00] =	vst v63  }
0x193: {  	s29 =	simm.s32 $0x5  }
0x194: {  	[spmem:s11] =	stream.linear.scatter [tilespmem:s28], [sflag:$0x5], $0x280, $0x38;
	[tilespmem:$0x10C00] =	vst v63  }
0x195: {  	_ =	swait.ge [sflag:s29], $0x280  }
0x196: {  	[sflag:s29] =	ssyncset.done $0x0  }
0x197: {  	[sflag:s29] =	ssyncadd.s32 $0xFFFFFD80  }
0x198: {  	s30 =	simm.s32 $0x2;
	s10 =	simm.s32 $0x9D00;
	[bflag:$0x0] =	sbarrier.arrive $0xFFFF  }
0x199: {  	[tilespmem:s10], [sflag:$0x2] =	stream.linear.gather [spmem:s9], $0x2800, $0x38;
	[tilespmem:$0x10C00] =	vst v63  }
0x19a: {  	_ =	swait.ge [sflag:s30], $0x2800  }
0x19b: {  	[sflag:s30] =	ssyncset.done $0x0  }
0x19c: {  	s31 =	simm.s32 $0x40;
	[sflag:s30] =	ssyncadd.s32 $0xFFFFD800  }
0x19d: {  	v0 =	vld [tilespmem:s31+$0x30]  }
0x19e: {  	v1 =	vld [tilespmem:s31+$0xFFFFFFD0]  }
0x19f: {  	v2 =	vld [tilespmem:s31+$0xFFFFFFE0]  }
0x1a0: {  	v3 =	vld [tilespmem:s31+$0xFFFFFFF0]  }
0x1a1: {  	v53 =	vld [tilespmem:s31+$0x0]  }
0x1a2: {  	s9 =	simm.s32 $0x4EC0;
	v54 =	vld [tilespmem:s31+$0x10]  }
0x1a3: {  	v55 =	vld [tilespmem:s9+$0x30]  }
0x1a4: {  	v56 =	vld [tilespmem:s31+$0x20]  }
0x1a5: {  	v57 =	vld [tilespmem:s31+$0xFFFFFFC0]  }
0x1a6: {  	v60 =	vld [tilespmem:s9+$0xFFFFFFC0]  }
0x1a7: {  	v61 =	vld [tilespmem:s9+$0xFFFFFFD0]  }
0x1a8: {  	v62 =	vld [tilespmem:s9+$0xFFFFFFE0]  }
0x1a9: {  	v63 =	vld [tilespmem:s9+$0xFFFFFFF0]  }
0x1aa: {  	v13 =	vld [tilespmem:s9+$0x0]  }
0x1ab: {  	v14 =	vld [tilespmem:s9+$0x10]  }
0x1ac: {  	v0 =	vld.idx.msk [tilespmem:v0+s10+$0x0], $0xffff  }
0x1ad: {  	v58 =	vld.idx.msk [tilespmem:v1+s10+$0x0], $0xffff  }
0x1ae: {  	v2 =	vld.idx.msk [tilespmem:v2+s10+$0x0], $0xffff  }
0x1af: {  	v3 =	vld.idx.msk [tilespmem:v3+s10+$0x0], $0xffff  }
0x1b0: {  	v4 =	vld.idx.msk [tilespmem:v53+s10+$0x0], $0xffff  }
0x1b1: {  	v59 =	vld.idx.msk [tilespmem:v57+s10+$0x0], $0xffff  }
0x1b2: {  	v5 =	vld.idx.msk [tilespmem:v54+s10+$0x0], $0xffff  }
0x1b3: {  	s11 =	simm.s32 $0xC500;
	v1 =	vld [tilespmem:s9+$0x20]  }
0x1b4: {  	[tilespmem:v55+s11+$0x0] =	vst.idx.add.f32.msk $0xffff, v0  }
0x1b5: {  	v0 =	vld.idx.msk [tilespmem:v56+s10+$0x0], $0xffff  }
0x1b6: {  	[tilespmem:v60+s11+$0x0] =	vst.idx.add.f32.msk $0xffff, v59  }
0x1b7: {  	[tilespmem:v61+s11+$0x0] =	vst.idx.add.f32.msk $0xffff, v58  }
0x1b8: {  	[tilespmem:v62+s11+$0x0] =	vst.idx.add.f32.msk $0xffff, v2  }
0x1b9: {  	[tilespmem:v63+s11+$0x0] =	vst.idx.add.f32.msk $0xffff, v3  }
0x1ba: {  	[tilespmem:v13+s11+$0x0] =	vst.idx.add.f32.msk $0xffff, v4  }
0x1bb: {  	s12 =	simm.s32 $0x0;
	s13 =	simm.s32 $0xC0;
	[tilespmem:v14+s11+$0x0] =	vst.idx.add.f32.msk $0xffff, v5  }
.LBB2_19:
0x1bc: {  	v2 =	vld [tilespmem:s13+$0x30];
	s12 =	sadd.s32 $0x8, s12  }
0x1bd: {  	v3 =	vld [tilespmem:s13+$0xFFFFFFD0];
	p0 =	slt.u32 s12, $0x4D8  }
0x1be: {  	v4 =	vld [tilespmem:s13+$0xFFFFFFE0]  }
0x1bf: {  	v5 =	vld [tilespmem:s13+$0xFFFFFFF0]  }
0x1c0: {  	v6 =	vld [tilespmem:s13+$0x0]  }
0x1c1: {  	s9 =	sadd.s32 $0x80, s9;
	v7 =	vld [tilespmem:s13+$0x10]  }
0x1c2: {  	v8 =	vld [tilespmem:s9+$0x30]  }
0x1c3: {  	v9 =	vld [tilespmem:s13+$0x20]  }
0x1c4: {  	v2 =	vld.idx.msk [tilespmem:v2+s10+$0x0], $0xffff  }
0x1c5: {  	v10 =	vld [tilespmem:s13+$0xFFFFFFC0]  }
0x1c6: {  	v3 =	vld.idx.msk [tilespmem:v3+s10+$0x0], $0xffff  }
0x1c7: {  	v4 =	vld.idx.msk [tilespmem:v4+s10+$0x0], $0xffff  }
0x1c8: {  	v5 =	vld.idx.msk [tilespmem:v5+s10+$0x0], $0xffff  }
0x1c9: {  	v6 =	vld.idx.msk [tilespmem:v6+s10+$0x0], $0xffff  }
0x1ca: {  	[tilespmem:v8+s11+$0x0] =	vst.idx.add.f32.msk $0xffff, v2  }
0x1cb: {  	v2 =	vld.idx.msk [tilespmem:v7+s10+$0x0], $0xffff  }
0x1cc: {  	v7 =	vld.idx.msk [tilespmem:v9+s10+$0x0], $0xffff  }
0x1cd: {  	v8 =	vld.idx.msk [tilespmem:v10+s10+$0x0], $0xffff  }
0x1ce: {  	v9 =	vld [tilespmem:s9+$0xFFFFFFC0]  }
0x1cf: {  	v10 =	vld [tilespmem:s9+$0xFFFFFFD0]  }
0x1d0: {  	v11 =	vld [tilespmem:s9+$0xFFFFFFE0]  }
0x1d1: {  	v12 =	vld [tilespmem:s9+$0xFFFFFFF0]  }
0x1d2: {  	v13 =	vld [tilespmem:s9+$0x0]  }
0x1d3: {  	v14 =	vld [tilespmem:s9+$0x10]  }
0x1d4: {  	v15 =	vld [tilespmem:s9+$0x20]  }
0x1d5: {  	[tilespmem:v1+s11+$0x0] =	vst.idx.add.f32.msk $0xffff, v0;
	v0 =	vmov v7  }
0x1d6: {  	[tilespmem:v9+s11+$0x0] =	vst.idx.add.f32.msk $0xffff, v8  }
.Ltmp9:
0x1d7: {  	[tilespmem:v10+s11+$0x0] =	vst.idx.add.f32.msk $0xffff, v3;
	(pc) =	sbr.rel @p0 .LBB2_19-.Ltmp9, $4  }
0x1d8: {  	[tilespmem:v11+s11+$0x0] =	vst.idx.add.f32.msk $0xffff, v4  }
0x1d9: {  	[tilespmem:v12+s11+$0x0] =	vst.idx.add.f32.msk $0xffff, v5;
	v1 =	vmov v15  }
0x1da: {  	[tilespmem:v13+s11+$0x0] =	vst.idx.add.f32.msk $0xffff, v6  }
0x1db: {  	s13 =	sadd.s32 $0x80, s13;
	[tilespmem:v14+s11+$0x0] =	vst.idx.add.f32.msk $0xffff, v2  }
0x1dc: {  	_ =	sdelay $0x3  }
0x1dd: {  	[tilespmem:v1+s11+$0x0] =	vst.idx.add.f32.msk $0xffff, v0;
	s9 =	simm.s32 $0x0;
	s10 =	simm.s32 $0x9D00;
	s11 =	simm.s32 $0xC500  }
.LBB2_21:
0x1de: {  	s12 =	sshra.s32 s9, $0x2  }
0x1df: {  	v0 =	vld [tilespmem:s12+$0x4E00];
	_ =	sdelay $0x4  }
0x1e0: {  	v1 =	vld [tilespmem:s12+$0x9C80];
	_ =	sdelay $0x2  }
0x1e1: {  	p0 =	sne.s32 s9, $0x40;
	v0 =	vld.idx.msk [tilespmem:v0+s10+$0x0], $0xffff  }
.Ltmp10:
0x1e2: {  	_ = 	snop;
	(pc) =	sbr.rel @p0 .LBB2_21-.Ltmp10, $2  }
0x1e3: {  	_ =	sdelay $0x2  }
0x1e4: {  	s9 =	sadd.s32 $0x40, s9;
	[tilespmem:v1+s11+$0x0] =	vst.idx.add.f32.msk $0xffff, v0  }
0x1e5: {  	s9 =	simm.s32 $0x3  }
0x1e6: {  	_ =	swait.ge [sflag:s9], $0x280  }
0x1e7: {  	s23 =	simm.s32 $0x50;
	s10 =	simm.s32 $0xED00;
	[sflag:s9] =	ssyncset.done $0x0  }
0x1e8: {  	s11 =	simm.s32 $0xC500;
	s24 =	simm.s32 $0x5;
	[sflag:s9] =	ssyncadd.s32 $0xFFFFFD80  }
0x1e9: {  	[spmem:s7] =	stream.indirect.scatter.add.f32 [tilespmem:s11], [sflag:$0x5], $0x80, s10, s23, $0xb8;
	[tilespmem:$0x10C00] =	vst v63  }
0x1ea: {  	_ =	swait.ge [sflag:s24], $0x2800  }
0x1eb: {  	[sflag:s24] =	ssyncset.done $0x0  }
0x1ec: {  	[sflag:s24] =	ssyncadd.s32 $0xFFFFD800  }
0x1ed: {  	s25 =	simm.s32 $0xF180;
	[bflag:$0x0] =	sbarrier.arrive $0xFFFF  }
0x1ee: {  	[tilespmem:s25], [sflag:$0x5] =	stream.linear.gather [spmem:s8], $0x280, $0x38;
	[tilespmem:$0x10C00] =	vst v63  }
0x1ef: {  	_ =	swait.ge [sflag:s24], $0x280  }
0x1f0: {  	[sflag:s24] =	ssyncset.done $0x0  }
0x1f1: {  	s26 =	simm.s32 $0xED80;
	[sflag:s24] =	ssyncadd.s32 $0xFFFFFD80  }
0x1f2: {  	[spmem:s8] =	stream.linear.scatter [tilespmem:s26], [sflag:$0x5], $0x280, $0x38;
	[tilespmem:$0x10C00] =	vst v63  }
0x1f3: {  	_ =	swait.ge [sflag:s24], $0x280  }
0x1f4: {  	[sflag:s24] =	ssyncset.done $0x0  }
0x1f5: {  	s28 =	simm.s32 $0x0;
	[sflag:s24] =	ssyncadd.s32 $0xFFFFFD80  }
0x1f6: {  	s29 =	sand.u32 $0x380, s28;
	s7 =	simm.s32 $0x30;
	v2 =	vld [tilespmem:$0xFD60]  }
0x1f7: {  	s31 =	simm.s32 $0x10;
	s9 =	sadd.s32 $0xF180, s29;
	s30 =	sand.u32 $0x70, s7;
	v0 =	vld [tilespmem:$0xFD70]  }
0x1f8: {  	s14 =	sadd.s32 $0x0, s5;
	s12 =	sor.u32 s30, s9;
	s8 =	sand.u32 $0x40, s28;
	v1 =	vld [tilespmem:$0xFD80]  }
0x1f9: {  	s15 =	sand.u32 $0x7F80, s14;
	s10 =	sand.u32 $0x50, s31;
	s13 =	sor.u32 s8, s9;
	v4 =	vld [tilespmem:s12+$0x0]  }
0x1fa: {  	s17 =	sadd.s32 $0x9D00, s15;
	s18 =	sor.u32 s10, s9;
	v3 =	vld [tilespmem:s13+$0x0]  }
0x1fb: {  	s16 =	simm.s32 $0x20;
	s8 =	sor.u32 s8, s17;
	v5 =	vld [tilespmem:s18+$0x0]  }
0x1fc: {  	s20 =	sor.u32 s10, s17;
	s12 =	sand.u32 $0x60, s16;
	v6 =	vld [tilespmem:s8+$0x0]  }
0x1fd: {  	v8 =	vld [tilespmem:s20+$0x0];
	s19 =	sor.u32 s12, s9  }
0x1fe: {  	s21 =	sor.u32 s12, s17;
	v7 =	vld [tilespmem:s19+$0x0]  }
0x1ff: {  	v9 =	vld [tilespmem:s21+$0x0];
	v3 =	vmul.f32 v3, v2  }
0x200: {  	s22 =	simm.s32 $0x40;
	p0 =	slt.u32 s14, $0x2710;
	s11 =	sor.u32 s30, s17  }
0x201: {  	s23 =	sand.u32 $0x380, s22;
	s31 =	sadd.s32 $0x20, s5;
	s24 =	sand.u32 $0x40, s22;
	v10 =	vld [tilespmem:s11+$0x0];
	v5 =	vmul.f32 v5, v2;
	v6 =	vmul.f32 v6, v1;
	v3 =	vadd.f32 v3, v0  }
0x202: {  	s8 =	simm.s32 $0x70;
	s11 =	simm.s32 $0x50;
	s17 =	sadd.s32 $0xF180, s23;
	v8 =	vmul.f32 v8, v1  }
0x203: {  	s13 =	sand.u32 $0x70, s8;
	s12 =	sadd.s32 $0x40, s5;
	s18 =	sor.u32 s24, s17;
	v7 =	vmul.f32 v7, v2;
	v5 =	vadd.f32 v5, v0;
	v6 =	vadd.f32 v6, v3  }
0x204: {  	v11 =	vimm.f32 $0.0e+00;
	s20 =	sand.u32 $0x50, s11;
	s16 =	sor.u32 s13, s17;
	s19 =	sand.u32 $0x7F80, s12;
	v12 =	vmul.f32 v4, v2;
	v4 =	vld [tilespmem:s18+$0x0];
	v9 =	vmul.f32 v9, v1  }
0x205: {  	s9 =	simm.s32 $0x60;
	s25 =	sor.u32 s20, s17;
	v3 =	vld [tilespmem:s16+$0x0];
	s16 =	sadd.s32 $0x9D00, s19;
	v8 =	vadd.f32 v8, v5;
	v7 =	vadd.f32 v7, v0;
	v13 =	vmax.f32 v6, $0.0e+00  }
0x206: {  	s28 =	sadd.s32 $0x10, s5;
	s26 =	sand.u32 $0x60, s9;
	v10 =	vmul.f32 v10, v1;
	v12 =	vadd.f32 v12, v0;
	s15 =	sor.u32 s24, s16;
	v6 =	vld [tilespmem:s25+$0x0];
	v13 =	vpsel !p0, $0x0, v13  }
0x207: {  	s10 =	simm.s32 $0xF5A0;
	p6 =	slt.u32 s28, $0x2710;
	s29 =	sor.u32 s26, s17;
	v5 =	vld [tilespmem:s15+$0x0];
	v14 =	vmax.f32 v8, $0.0e+00;
	v15 =	vadd.f32 v9, v7;
	v11 =	vadd.f32 v13, v11  }
0x208: {  	s14 =	simm.s32 $0x4;
	p1 =	slt.u32 s31, $0x2710;
	s30 =	sor.u32 s20, s16;
	v8 =	vld [tilespmem:s29+$0x0];
	v9 =	vpsel !p6, $0x0, v14;
	[tilespmem:s10+$0xFFFFFFE0] =	vst v13  }
0x209: {  	s17 =	simm.s32 $0xF5A0;
	v10 =	vadd.f32 v10, v12;
	s18 =	sor.u32 s26, s16;
	v7 =	vld [tilespmem:s30+$0x0];
	s15 =	simm.s32 $0x80;
	[tilespmem:s10+$0xFFFFFFF0] =	vst v9;
	v9 =	vadd.f32 v9, v11;
	v11 =	vmax.f32 v15, $0.0e+00  }
.LBB2_23:
0x20a: {  	s19 =	sadd.s32 s5, s7  }
0x20b: {  	s10 =	sadd.s32 $0x40, s10;
	s7 =	smov.u32 s8;
	s8 =	sadd.s32 $0x30, s15  }
0x20c: {  	v4 =	vmul.f32 v4, v2;
	v12 =	vld [tilespmem:s18+$0x0];
	v11 =	vpsel !p1, $0x0, v11;
	s20 =	smov.u32 s11;
	s21 =	smov.u32 s12;
	s18 =	sadd.s32 $0x20, s15  }
0x20d: {  	s12 =	sor.u32 s13, s16;
	s13 =	sand.u32 $0x380, s15;
	v6 =	vmul.f32 v6, v2;
	[tilespmem:s17+$0x0] =	vst v11;
	v9 =	vadd.f32 v11, v9;
	v10 =	vmax.f32 v10, $0.0e+00;
	p0 =	slt.u32 s19, $0x2710  }
0x20e: {  	s11 =	sadd.s32 $0x10, s15;
	s14 =	sadd.s32 $0x4, s14;
	s19 =	sand.u32 $0x40, s15;
	v4 =	vadd.f32 v4, v0;
	v5 =	vmul.f32 v5, v1;
	v11 =	vld [tilespmem:s12+$0x0];
	v10 =	vpsel !p0, $0x0, v10  }
0x20f: {  	s22 =	sadd.s32 $0xF180, s13;
	s13 =	sand.u32 $0x70, s8;
	s24 =	sand.u32 $0x50, s11;
	v8 =	vmul.f32 v8, v2;
	[tilespmem:s17+$0x10] =	vst v10;
	v9 =	vadd.f32 v10, v9  }
0x210: {  	s12 =	sadd.s32 s15, s5;
	s16 =	sor.u32 s13, s22;
	p0 =	slt.u32 s14, $0x24;
	v6 =	vadd.f32 v6, v0;
	v5 =	vadd.f32 v5, v4;
	v7 =	vmul.f32 v7, v1  }
0x211: {  	p1 =	slt.u32 s21, $0x2710;
	s17 =	sor.u32 s19, s22;
	s23 =	sand.u32 $0x7F80, s12;
	v10 =	vmul.f32 v12, v1;
	v12 =	vmul.f32 v3, v2;
	v3 =	vld [tilespmem:s16+$0x0]  }
.Ltmp11:
0x212: {  	s16 =	sadd.s32 $0x9D00, s23;
	v8 =	vadd.f32 v8, v0;
	v4 =	vld [tilespmem:s17+$0x0];
	s17 =	sor.u32 s24, s22;
	v5 =	vmax.f32 v5, $0.0e+00;
	v7 =	vadd.f32 v7, v6;
	(pc) =	sbr.rel @p0 .LBB2_23-.Ltmp11, $4  }
0x213: {  	s21 =	sand.u32 $0x60, s18;
	s19 =	sor.u32 s19, s16;
	v6 =	vld [tilespmem:s17+$0x0];
	v13 =	vpsel !p1, $0x0, v5;
	s17 =	sadd.s32 s5, s20;
	v12 =	vadd.f32 v12, v0;
	v14 =	vmul.f32 v11, v1  }
0x214: {  	v10 =	vadd.f32 v10, v8;
	v5 =	vld [tilespmem:s19+$0x0];
	s19 =	sor.u32 s21, s22;
	[tilespmem:s10+$0xFFFFFFE0] =	vst v13;
	v9 =	vadd.f32 v13, v9;
	v7 =	vmax.f32 v7, $0.0e+00;
	p1 =	slt.u32 s17, $0x2710;
	s17 =	smov.u32 s10  }
0x215: {  	s20 =	sor.u32 s24, s16;
	v8 =	vld [tilespmem:s19+$0x0];
	v11 =	vpsel !p1, $0x0, v7;
	s19 =	sadd.s32 s5, s9;
	s9 =	smov.u32 s18  }
0x216: {  	s15 =	sadd.s32 $0x40, s15;
	s18 =	sor.u32 s21, s16;
	v7 =	vld [tilespmem:s20+$0x0];
	[tilespmem:s10+$0xFFFFFFF0] =	vst v11;
	v9 =	vadd.f32 v11, v9;
	v11 =	vmax.f32 v10, $0.0e+00;
	p1 =	slt.u32 s19, $0x2710;
	v10 =	vadd.f32 v14, v12  }
0x217: {  	v12 =	vld [tilespmem:s18+$0x0];
	s13 =	sor.u32 s13, s16  }
0x218: {  	v4 =	vmul.f32 v4, v2;
	v13 =	vld [tilespmem:s13+$0x0]  }
0x219: {  	v55 =	vmul.f32 v3, v2;
	v56 =	vpsel !p1, $0x0, v11;
	v6 =	vmul.f32 v6, v2  }
0x21a: {  	v4 =	vadd.f32 v4, v0;
	v5 =	vmul.f32 v5, v1;
	v8 =	vmul.f32 v8, v2  }
0x21b: {  	v10 =	vmax.f32 v10, $0.0e+00;
	v6 =	vadd.f32 v6, v0;
	v7 =	vmul.f32 v7, v1  }
0x21c: {  	s7 =	sadd.s32 s5, s7;
	v4 =	vadd.f32 v5, v4;
	v57 =	vmul.f32 v12, v1;
	v8 =	vadd.f32 v8, v0  }
0x21d: {  	p0 =	slt.u32 s7, $0x2710;
	v58 =	vadd.f32 v55, v0;
	v6 =	vadd.f32 v7, v6;
	v59 =	vmul.f32 v13, v1  }
0x21e: {  	p3 =	slt.u32 s12, $0x2710;
	s23 =	sadd.s32 s5, s11;
	[tilespmem:s17+$0x0] =	vst v56;
	v60 =	vpsel !p0, $0x0, v10;
	v4 =	vmax.f32 v4, $0.0e+00;
	v5 =	vadd.f32 v57, v8  }
0x21f: {  	s10 =	sadd.s32 $0x40, s10;
	s24 =	sadd.s32 s5, s9;
	p4 =	slt.u32 s23, $0x2710;
	[tilespmem:s17+$0x10] =	vst v60;
	v4 =	vpsel !p3, $0x0, v4;
	v6 =	vmax.f32 v6, $0.0e+00;
	v0 =	vadd.f32 v59, v58  }
0x220: {  	s25 =	sadd.s32 s5, s8;
	v61 =	vadd.f32 v56, v9;
	p5 =	slt.u32 s24, $0x2710;
	[tilespmem:s10+$0xFFFFFFE0] =	vst v4;
	v62 =	vpsel !p4, $0x0, v6;
	v5 =	vmax.f32 v5, $0.0e+00  }
0x221: {  	p6 =	slt.u32 s25, $0x2710;
	[tilespmem:s10+$0xFFFFFFF0] =	vst v62;
	v5 =	vpsel !p5, $0x0, v5;
	v0 =	vmax.f32 v0, $0.0e+00  }
0x222: {  	v1 =	vadd.f32 v60, v61;
	[tilespmem:s10+$0x0] =	vst v5;
	v0 =	vpsel !p6, $0x0, v0  }
0x223: {  	s4 =	sadd.s32 s6, s4;
	s26 =	simm.s32 $0x0;
	s28 =	simm.s32 $0xF580;
	[tilespmem:s10+$0x10] =	vst v0  }
0x224: {  	v63 =	vimm.f32 $0.0e+00;
	v1 =	vadd.f32 v4, v1;
	[hbm4b:s4+s26] =	stream.linear.scatter [tilespmem:s28], [sflag:$0x3], $0x280, $0x38;
	[tilespmem:$0x10C00] =	vst v63  }
0x225: {  	[tilespmem:$0xFE10] =	vst v63  }
0x226: {  	v1 =	vadd.f32 v62, v1;
	[tilespmem:$0xFE20] =	vst v63  }
0x227: {  	[tilespmem:$0xFE30] =	vst v63  }
0x228: {  	v1 =	vadd.f32 v5, v1;
	[tilespmem:$0xFE40] =	vst v63  }
0x229: {  	[tilespmem:$0xFE50] =	vst v63  }
0x22a: {  	v0 =	vadd.f32 v0, v1;
	[tilespmem:$0xFE60] =	vst v63  }
0x22b: {  	s29 =	sshll.u32 s3, $0x7;
	[tilespmem:$0xFE70] =	vst v63  }
0x22c: {  	s30 =	simm.s32 $0xFE00;
	s31 =	simm.s32 $0x5;
	s4 =	sadd.s32 s29, s2;
	[tilespmem:$0xFE00] =	vst v0  }
0x22d: {  	[spmem:s4] =	stream.linear.scatter [tilespmem:s30], [sflag:$0x5], $0x80, $0x38;
	[tilespmem:$0x10C00] =	vst v63  }
0x22e: {  	_ =	swait.ge [sflag:s31], $0x80  }
0x22f: {  	[sflag:s31] =	ssyncset.done $0x0  }
0x230: {  	p0 =	sne.s32 s3, $0x0;
	[sflag:s31] =	ssyncadd.s32 $0xFFFFFF80  }
0x231: {  	s3 =	simm.s32 @p0 $0x4;
	[bflag:$0x0] =	sbarrier.arrive $0xFFFF  }
0x232: {  	_ =	swait.ge @p0 [sflag:s3], $0x280  }
0x233: {  	[sflag:s3] =	ssyncset.done @p0 $0x0  }
0x234: {  	[sflag:s3] =	ssyncadd.s32 @p0 $0xFFFFFD80;
	s3 =	simm.s32 @p0 $0x3  }
0x235: {  	_ =	swait.ge @p0 [sflag:s3], $0x280  }
0x236: {  	[sflag:s3] =	ssyncset.done @p0 $0x0  }
0x237: {  	[sflag:s3] =	ssyncadd.s32 @p0 $0xFFFFFD80  }
0x238: {  	_ =	sfence.sel @p0 $0x180000  }
0x239: {  	[bflag:$0x0] =	sbarrier.arrive @p0 $0xFFFF  }
0x23a: {  	_ =	strace @p0 $0x90000047  }
0x23b: {  	s3 =	simm.s32 @!p0 $0xFE80;
	[bflag:$0x2] =	sbarrier.arrive @p0 $0xFFFF  }
0x23c: {  	[tilespmem:s3], [sflag:$0x5] =	stream.linear.gather @!p0 [spmem:s2], $0x800, $0x38;
	[tilespmem:$0x10C00] =	vst v63  }
0x23d: {  	s2 =	simm.s32 @!p0 $0x5  }
0x23e: {  	_ =	swait.ge @!p0 [sflag:s2], $0x800  }
0x23f: {  	[sflag:s2] =	ssyncset.done @!p0 $0x0  }
0x240: {  	[sflag:s2] =	ssyncadd.s32 @!p0 $0xFFFFF800  }
0x241: {  	v0 =	vld @!p0 [tilespmem:$0xFE80];
	_ =	sdelay $0x1  }
0x242: {  	v1 =	vld @!p0 [tilespmem:$0xFF00];
	_ =	sdelay $0x1  }
0x243: {  	v2 =	vld @!p0 [tilespmem:$0xFF80]  }
0x244: {  	v0 =	vadd.f32 @!p0 $0.0e+00, v0  }
0x245: {  	v3 =	vld @!p0 [tilespmem:$0x10000]  }
0x246: {  	v0 =	vadd.f32 @!p0 v1, v0  }
0x247: {  	v1 =	vld @!p0 [tilespmem:$0x10080]  }
0x248: {  	v0 =	vadd.f32 @!p0 v2, v0  }
0x249: {  	v2 =	vld @!p0 [tilespmem:$0x10100]  }
0x24a: {  	v0 =	vadd.f32 @!p0 v3, v0  }
0x24b: {  	v3 =	vld @!p0 [tilespmem:$0x10180]  }
0x24c: {  	v0 =	vadd.f32 @!p0 v1, v0  }
0x24d: {  	v1 =	vld @!p0 [tilespmem:$0x10200]  }
0x24e: {  	v0 =	vadd.f32 @!p0 v2, v0  }
0x24f: {  	v2 =	vld @!p0 [tilespmem:$0x10280]  }
0x250: {  	v0 =	vadd.f32 @!p0 v3, v0  }
0x251: {  	v3 =	vld @!p0 [tilespmem:$0x10300]  }
0x252: {  	v0 =	vadd.f32 @!p0 v1, v0  }
0x253: {  	v1 =	vld @!p0 [tilespmem:$0x10380]  }
0x254: {  	v0 =	vadd.f32 @!p0 v2, v0  }
0x255: {  	v2 =	vld @!p0 [tilespmem:$0x10400]  }
0x256: {  	v0 =	vadd.f32 @!p0 v3, v0  }
0x257: {  	v3 =	vld @!p0 [tilespmem:$0x10480]  }
0x258: {  	v0 =	vadd.f32 @!p0 v1, v0  }
0x259: {  	v1 =	vld @!p0 [tilespmem:$0x10500]  }
0x25a: {  	v0 =	vadd.f32 @!p0 v2, v0  }
0x25b: {  	v2 =	vld @!p0 [tilespmem:$0x10580]  }
0x25c: {  	v0 =	vadd.f32 @!p0 v3, v0  }
0x25d: {  	v3 =	vld @!p0 [tilespmem:$0x10600]  }
0x25e: {  	v0 =	vadd.f32 @!p0 v1, v0;
	_ =	sdelay $0x1  }
0x25f: {  	v0 =	vadd.f32 @!p0 v2, v0;
	_ =	sdelay $0x1  }
0x260: {  	v0 =	vadd.f32 @!p0 v3, v0;
	_ =	sdelay $0x1  }
0x261: {  	(xrf2) =	vadd.scan.msk.f32 @!p0 $0xffff, v0;
	_ =	sdelay $0x9  }
0x262: {  	v0, _, _ =	vpop @!p0 (xrf2)  }
0x263: {  	v0 =	vbroadcast @!p0 v0, $0xF;
	_ =	sdelay $0x1  }
0x264: {  	s4 =	simm.s32 @!p0 $0xFE00;
	s3 =	simm.s32 @!p0 $0x0;
	[tilespmem:$0xFE00] =	vst @!p0 v0  }
0x265: {  	[hbm4b:s1+s3] =	stream.linear.scatter @!p0 [tilespmem:s4], [sflag:$0x5], $0x80, $0x38;
	[tilespmem:$0x10C00] =	vst v63  }
0x266: {  	_ =	swait.ge @!p0 [sflag:s2], $0x80  }
0x267: {  	[sflag:s2] =	ssyncset.done @!p0 $0x0  }
0x268: {  	s1 =	simm.s32 @!p0 $0x4;
	[sflag:s2] =	ssyncadd.s32 @!p0 $0xFFFFFF80  }
0x269: {  	_ =	swait.ge @!p0 [sflag:s1], $0x280  }
0x26a: {  	[sflag:s1] =	ssyncset.done @!p0 $0x0  }
0x26b: {  	[sflag:s1] =	ssyncadd.s32 @!p0 $0xFFFFFD80;
	s1 =	simm.s32 @!p0 $0x3  }
0x26c: {  	_ =	swait.ge @!p0 [sflag:s1], $0x280  }
0x26d: {  	[sflag:s1] =	ssyncset.done @!p0 $0x0  }
0x26e: {  	[sflag:s1] =	ssyncadd.s32 @!p0 $0xFFFFFD80  }
0x26f: {  	_ =	sfence.sel @!p0 $0x180000  }
0x270: {  	[bflag:$0x0] =	sbarrier.arrive @!p0 $0xFFFF  }
0x271: {  	_ =	strace @!p0 $0x90000047  }
0x272: {  	s0 =	sadd.s32 @!p0 $0x100000, s0;
	[bflag:$0x2] =	sbarrier.arrive @!p0 $0xFFFF  }
0x273: {  	[sflag:s0] =	ssyncadd.tile.s32 @!p0 $0x1;
	_ =	shalt  }
.Lfunc_end2:
_tile_overlayer_lowered:
.L_overlay_start_2:
0x274: {  	(tag) =	ssettag $0x2  }
0x275: {  	s0 =	rddreg [dreg:$0x0];
	s2 =	stileid.u32  }
0x276: {  	s1 =	rddreg [dreg:$0x1];
	p0 =	sne.s32 s2, $0x0  }
0x277: {  	s3 =	rddreg [dreg:$0x2];
	[bflag:$0x3] =	sbarrier.arrive $0xFFFF;
	s2 =	simm.s32 @!p0 $0x1C05  }
0x278: {  	[timem:s3], [sflag:s2] =	dma.local @!p0 [hbm:s0], s1  }
0x279: {  	s0 =	simm.s32 @!p0 $0x5  }
0x27a: {  	_ =	swait.ge @!p0 [sflag:s0], s1  }
0x27b: {  	s1 =	ssub.s32 @!p0 $0x0, s1;
	[sflag:s0] =	ssyncset.done @!p0 $0x0  }
0x27c: {  	[sflag:s0] =	ssyncadd.s32 @!p0 s1  }
0x27d: {  	[bflag:$0x3] =	sbarrier.arrive $0xFFFF  }
0x27e: {  	_ =	shalt  }

</sc_bundles>
